<compile_context>
chip_gen: v7x
topology: tpu7x:2x2x1
jax: 0.10.2.dev20260603
libtpu: 0.0.44.dev20260713+nightly
codegen_flags: <defaults>
</compile_context>

<pallas_src>
import jax
import jax.numpy as jnp
from jax import lax
from jax.experimental import pallas as pl
from jax.experimental.pallas import tpu as pltpu
from jax.experimental.pallas import tpu_sc as plsc

ROWS = 16
COLS = 20000
NC = 2
NS = 16
L = 16
SHARP = 10.0
NEG = float("-inf")

W = 640
COLS_PAD = 157 * 128
LAST_TILE = 156 * 128
C0_MAX = COLS_PAD - W
XW = 128 + W + 128
NV = W // L


def _body(x_hbm, lg_hbm, sp_hbm, pv_hbm,
          xb2, xb1, spb, pvb, lgb, sem):
    cid = lax.axis_index("c")
    sid = lax.axis_index("s")
    wid = sid * NC + cid

    pltpu.sync_copy(lg_hbm, lgb)
    logit = lgb[...]
    thresh = 1.0 / (1.0 + jnp.exp(-logit))
    t10 = SHARP * thresh
    neg = jnp.full((L,), NEG, jnp.float32)

    c0 = pl.multiple_of(jnp.minimum(wid * W, C0_MAX), 128)
    cl = pl.multiple_of(jnp.maximum(c0 - 128, 0), 128)
    cr = pl.multiple_of(jnp.minimum(c0 + W, LAST_TILE), 128)

    cps = []
    for g in range(2):
        r0 = 8 * g
        cps.append(pltpu.async_copy(
            x_hbm.at[pl.ds(r0, 8), pl.ds(cl, 128)],
            xb2.at[pl.ds(r0, 8), pl.ds(0, 128)], sem))
        cps.append(pltpu.async_copy(
            x_hbm.at[pl.ds(r0, 8), pl.ds(c0, W)],
            xb2.at[pl.ds(r0, 8), pl.ds(128, W)], sem))
        cps.append(pltpu.async_copy(
            x_hbm.at[pl.ds(r0, 8), pl.ds(cr, 128)],
            xb2.at[pl.ds(r0, 8), pl.ds(128 + W, 128)], sem))

    NM = XW // L
    ocps = []
    for g in range(2):
        r0 = 8 * g
        for cp in cps[3 * g:3 * g + 3]:
            cp.wait()

        @plsc.parallel_loop(0, 8 * NM, step=1, unroll=8)
        def mv(v):
            r = v // NM
            m = v - r * NM
            xb1[pl.ds((r0 + r) * XW + m * L, L)] = xb2[r0 + r, pl.ds(m * L, L)]

        @pl.when(wid == 0)
        def _padleft():
            for r in range(8):
                xb1[pl.ds((r0 + r) * XW + 112, L)] = neg

        @pl.when(wid == 31)
        def _padright():
            for r in range(8):
                xb1[pl.ds((r0 + r) * XW + 128 + (COLS - C0_MAX), L)] = neg

        @plsc.parallel_loop(0, 8 * NV, step=1, unroll=4)
        def step(v):
            r = v // NV
            k = v - r * NV
            base = (r0 + r) * XW + 128 + k * L
            x = xb1[pl.ds(base, L)]
            a = jnp.maximum(xb1[pl.ds(base - 2, L)], xb1[pl.ds(base - 1, L)])
            b = jnp.maximum(xb1[pl.ds(base + 1, L)], xb1[pl.ds(base + 2, L)])
            pooled = jnp.maximum(x, jnp.maximum(a, b))
            x10 = SHARP * x
            ea = jnp.exp(t10 - x10)
            eb = jnp.exp(SHARP * pooled - x10)
            sp = x / ((1.0 + ea) * (1.0 + eb))
            o = k * L
            spb[r0 + r, pl.ds(o, L)] = sp
            pvb[r0 + r, pl.ds(o, L)] = jnp.where(sp >= thresh, x, 0.0)

        for (buf, hbm) in ((spb, sp_hbm), (pvb, pv_hbm)):
            ocps.append(pltpu.async_copy(
                buf.at[pl.ds(r0, 8), pl.ds(0, W)],
                hbm.at[pl.ds(r0, 8), pl.ds(c0, W)], sem))
    for cp in ocps:
        cp.wait()


@jax.jit
def _run(peak_map, logit_vec):
    mesh = plsc.VectorSubcoreMesh(
        core_axis_name="c", subcore_axis_name="s", num_cores=NC, num_subcores=NS
    )
    f = pl.kernel(
        _body,
        out_type=(
            jax.ShapeDtypeStruct((ROWS, COLS), jnp.float32),
            jax.ShapeDtypeStruct((ROWS, COLS), jnp.float32),
        ),
        mesh=mesh,
        scratch_types=[
            pltpu.VMEM((ROWS, XW), jnp.float32),
            pltpu.VMEM((ROWS * XW,), jnp.float32),
            pltpu.VMEM((ROWS, W), jnp.float32),
            pltpu.VMEM((ROWS, W), jnp.float32),
            pltpu.VMEM((L,), jnp.float32),
            pltpu.SemaphoreType.DMA,
        ],
    )
    return f(peak_map, logit_vec)


def kernel(peak_map, logit_thresh):
    logit_vec = jnp.broadcast_to(logit_thresh.astype(jnp.float32), (L,))
    sp, pv = _run(peak_map, logit_vec)
    return sp, sp >= jax.nn.sigmoid(logit_thresh), pv

# --- scband reference (transcript-rebuilt; emitter-appended) ---
"""Pipeline reference for scband-learnable-peak-extractor-17987323035999 (READ-ONLY COPY).

The authoritative reference and input builder live on the scoring server;
editing this copy changes nothing except your own understanding.
"""

import jax, jax.numpy as jnp
import numpy as np

MIN_DISTANCE = 2
SHARPNESS = 10.0
INIT_THRESH = 0.1


def setup_inputs(seed: int = 0) -> dict:
    key = jax.random.key(seed)
    peak_map = jax.random.uniform(key, (16, 20000), dtype=jnp.float32)
    # learned parameter: logit of the initial threshold
    logit_thresh = jnp.asarray(np.log(INIT_THRESH / (1.0 - INIT_THRESH)), dtype=jnp.float32)
    return {"peak_map": peak_map, "logit_thresh": logit_thresh}


def reference(peak_map, logit_thresh):
    md = MIN_DISTANCE
    thresh = jax.nn.sigmoid(logit_thresh)
    gate = jax.nn.sigmoid(SHARPNESS * (peak_map - thresh))
    # replicate ('edge') padding followed by sliding-window max == F.max_pool1d on replicate-padded input
    padded = jnp.pad(peak_map, ((0, 0), (md, md)), mode='edge')
    pooled = jax.lax.reduce_window(
        padded,
        -jnp.inf,
        jax.lax.max,
        window_dimensions=(1, 2 * md + 1),
        window_strides=(1, 1),
        padding='VALID',
    )
    local_mask = jax.nn.sigmoid(SHARPNESS * (peak_map - pooled))
    smooth_peaks = peak_map * gate * local_mask
    # torch version returns variable-length index/value lists per sample;
    # here we return the equivalent dense boolean mask and masked values
    # (jit-friendly fixed-shape encoding of the same information)
    mask = smooth_peaks >= thresh
    peak_values = jnp.where(mask, peak_map, 0.0)
    return (smooth_peaks, mask, peak_values)

if __name__ == "__main__":
    import jax
    _d = setup_inputs()
    print(jax.jit(kernel)(*tuple(_d.values())))

</pallas_src>

<mosaic_0001>
#map = affine_map<(d0, d1) -> (0, 0)>
#map1 = affine_map<(d0, d1) -> (0)>
module attributes {stable_mosaic.version = 14 : i64} {
  func.func @_body(%arg0: i32, %arg1: i32, %arg2: memref<16x20000xf32, #tpu.memory_space<hbm>>, %arg3: memref<16xf32, #tpu.memory_space<hbm>>, %arg4: memref<16x20000xf32, #tpu.memory_space<hbm>>, %arg5: memref<16x20000xf32, #tpu.memory_space<hbm>>, %arg6: memref<16x896xf32, #tpu.memory_space<vmem>>, %arg7: memref<14336xf32, #tpu.memory_space<vmem>>, %arg8: memref<16x640xf32, #tpu.memory_space<vmem>>, %arg9: memref<16x640xf32, #tpu.memory_space<vmem>>, %arg10: memref<16xf32, #tpu.memory_space<vmem>>, %arg11: memref<!tpu.dma_semaphore, #tpu.memory_space<semaphore_mem>>) attributes {dimension_semantics = [#tpu.dimension_semantics<core_parallel>, #tpu.dimension_semantics<subcore_parallel>], iteration_bounds = array<i64: 2, 16>, scalar_prefetch = 0 : i64, scratch_operands = 6 : i64, tpu.core_type = #tpu.core_type<sc_vector_subcore>, window_params = [{transform_indices = #map}, {transform_indices = #map1}, {transform_indices = #map}, {transform_indices = #map}]} {
    %mul3A = arith.constant 2 : i32
    %mul3A_0 = arith.muli %arg1, %mul3A : i32
    %add3A = arith.addi %mul3A_0, %arg0 : i32
    "tpu.region"() ({
      %run_scoped3A = tpu.sem_alloc : memref<!tpu.dma_semaphore, #tpu.memory_space<semaphore_mem>>
      tpu.enqueue_dma source(%arg3 : memref<16xf32, #tpu.memory_space<hbm>>) target(%arg10 : memref<16xf32, #tpu.memory_space<vmem>>) target_semaphore(%run_scoped3A : memref<!tpu.dma_semaphore, #tpu.memory_space<semaphore_mem>>)
      tpu.wait_dma2 semaphore(%run_scoped3A : memref<!tpu.dma_semaphore, #tpu.memory_space<semaphore_mem>>) src(%arg3 : memref<16xf32, #tpu.memory_space<hbm>>) dst(%arg10 : memref<16xf32, #tpu.memory_space<vmem>>)
      tpu.yield
    }) : () -> ()
    %get3A = arith.constant 0 : index
    %get3A_1 = tpu.vector_load %arg10[%get3A] {strides = array<i32>} : memref<16xf32, #tpu.memory_space<vmem>>, vector<16xf32>,
    %get3A_2 = vector.shape_cast %get3A_1 : vector<16xf32> to vector<16xf32>
    %neg3A = arith.constant 0.000000e+00 : f32
    %neg3A_3 = vector.broadcast %neg3A : f32 to vector<16xf32>
    %neg3A_4 = arith.subf %neg3A_3, %get3A_2 : vector<16xf32>
    %exp3A = math.exp %neg3A_4 : vector<16xf32>
    %add3A_5 = arith.constant 1.000000e+00 : f32
    %add3A_6 = vector.broadcast %add3A_5 : f32 to vector<16xf32>
    %add3A_7 = arith.addf %add3A_6, %exp3A : vector<16xf32>
    %div3A = arith.constant 1.000000e+00 : f32
    %div3A_8 = vector.broadcast %div3A : f32 to vector<16xf32>
    %div3A_9 = arith.divf %div3A_8, %add3A_7 : vector<16xf32>
    %mul3A_10 = arith.constant 1.000000e+01 : f32
    %mul3A_11 = vector.broadcast %mul3A_10 : f32 to vector<16xf32>
    %mul3A_12 = arith.mulf %mul3A_11, %div3A_9 : vector<16xf32>
    %broadcast_in_dim3A = arith.constant 0xFF800000 : f32
    %broadcast_in_dim3A_13 = vector.broadcast %broadcast_in_dim3A : f32 to vector<16xf32>
    %mul3A_14 = arith.constant 640 : i32
    %mul3A_15 = arith.muli %add3A, %mul3A_14 : i32
    %min3A = arith.constant 19456 : i32
    %min3A_16 = arith.minsi %mul3A_15, %min3A : i32
    %multiple_of3A = tpu.assume_multiple %min3A_16, 128 : i32
    %sub3A = arith.constant 128 : i32
    %sub3A_17 = arith.subi %multiple_of3A, %sub3A : i32
    %max3A = arith.constant 0 : i32
    %max3A_18 = arith.maxsi %sub3A_17, %max3A : i32
    %multiple_of3A_19 = tpu.assume_multiple %max3A_18, 128 : i32
    %add3A_20 = arith.constant 640 : i32
    %add3A_21 = arith.addi %multiple_of3A, %add3A_20 : i32
    %min3A_22 = arith.constant 19968 : i32
    %min3A_23 = arith.minsi %add3A_21, %min3A_22 : i32
    %multiple_of3A_24 = tpu.assume_multiple %min3A_23, 128 : i32
    %dma_start3A = arith.constant 0 : i32
    %dma_start3A_25 = arith.constant 0 : i32
    %dma_start3A_26 = tpu.memref_slice %arg6[%dma_start3A, %dma_start3A_25] : memref<16x896xf32, #tpu.memory_space<vmem>> -> memref<8x128xf32, #tpu.memory_space<vmem>>
    %dma_start3A_27 = arith.constant 0 : i32
    %dma_start3A_28 = tpu.memref_slice %arg2[%dma_start3A_27, %multiple_of3A_19] : memref<16x20000xf32, #tpu.memory_space<hbm>> -> memref<8x128xf32, #tpu.memory_space<hbm>>
    %dma_start3A_29 = arith.constant 0 : i32
    %dma_start3A_30 = arith.constant 0 : i32
    %dma_start3A_31 = tpu.memref_slice %arg6[%dma_start3A_29, %dma_start3A_30] : memref<16x896xf32, #tpu.memory_space<vmem>> -> memref<8x128xf32, #tpu.memory_space<vmem>>
    %dma_start3A_32 = arith.constant 0 : i32
    %dma_start3A_33 = tpu.memref_slice %arg2[%dma_start3A_32, %multiple_of3A_19] : memref<16x20000xf32, #tpu.memory_space<hbm>> -> memref<8x128xf32, #tpu.memory_space<hbm>>
    tpu.enqueue_dma source(%dma_start3A_33 : memref<8x128xf32, #tpu.memory_space<hbm>>) target(%dma_start3A_31 : memref<8x128xf32, #tpu.memory_space<vmem>>) target_semaphore(%arg11 : memref<!tpu.dma_semaphore, #tpu.memory_space<semaphore_mem>>)
    %dma_start3A_34 = arith.constant 0 : i32
    %dma_start3A_35 = arith.constant 128 : i32
    %dma_start3A_36 = tpu.memref_slice %arg6[%dma_start3A_34, %dma_start3A_35] : memref<16x896xf32, #tpu.memory_space<vmem>> -> memref<8x640xf32, #tpu.memory_space<vmem>>
    %dma_start3A_37 = arith.constant 0 : i32
    %dma_start3A_38 = tpu.memref_slice %arg2[%dma_start3A_37, %multiple_of3A] : memref<16x20000xf32, #tpu.memory_space<hbm>> -> memref<8x640xf32, #tpu.memory_space<hbm>>
    %dma_start3A_39 = arith.constant 0 : i32
    %dma_start3A_40 = arith.constant 128 : i32
    %dma_start3A_41 = tpu.memref_slice %arg6[%dma_start3A_39, %dma_start3A_40] : memref<16x896xf32, #tpu.memory_space<vmem>> -> memref<8x640xf32, #tpu.memory_space<vmem>>
    %dma_start3A_42 = arith.constant 0 : i32
    %dma_start3A_43 = tpu.memref_slice %arg2[%dma_start3A_42, %multiple_of3A] : memref<16x20000xf32, #tpu.memory_space<hbm>> -> memref<8x640xf32, #tpu.memory_space<hbm>>
    tpu.enqueue_dma source(%dma_start3A_43 : memref<8x640xf32, #tpu.memory_space<hbm>>) target(%dma_start3A_41 : memref<8x640xf32, #tpu.memory_space<vmem>>) target_semaphore(%arg11 : memref<!tpu.dma_semaphore, #tpu.memory_space<semaphore_mem>>)
    %dma_start3A_44 = arith.constant 0 : i32
    %dma_start3A_45 = arith.constant 768 : i32
    %dma_start3A_46 = tpu.memref_slice %arg6[%dma_start3A_44, %dma_start3A_45] : memref<16x896xf32, #tpu.memory_space<vmem>> -> memref<8x128xf32, #tpu.memory_space<vmem>>
    %dma_start3A_47 = arith.constant 0 : i32
    %dma_start3A_48 = tpu.memref_slice %arg2[%dma_start3A_47, %multiple_of3A_24] : memref<16x20000xf32, #tpu.memory_space<hbm>> -> memref<8x128xf32, #tpu.memory_space<hbm>>
    %dma_start3A_49 = arith.constant 0 : i32
    %dma_start3A_50 = arith.constant 768 : i32
    %dma_start3A_51 = tpu.memref_slice %arg6[%dma_start3A_49, %dma_start3A_50] : memref<16x896xf32, #tpu.memory_space<vmem>> -> memref<8x128xf32, #tpu.memory_space<vmem>>
    %dma_start3A_52 = arith.constant 0 : i32
    %dma_start3A_53 = tpu.memref_slice %arg2[%dma_start3A_52, %multiple_of3A_24] : memref<16x20000xf32, #tpu.memory_space<hbm>> -> memref<8x128xf32, #tpu.memory_space<hbm>>
    tpu.enqueue_dma source(%dma_start3A_53 : memref<8x128xf32, #tpu.memory_space<hbm>>) target(%dma_start3A_51 : memref<8x128xf32, #tpu.memory_space<vmem>>) target_semaphore(%arg11 : memref<!tpu.dma_semaphore, #tpu.memory_space<semaphore_mem>>)
    %dma_start3A_54 = arith.constant 8 : i32
    %dma_start3A_55 = arith.constant 0 : i32
    %dma_start3A_56 = tpu.memref_slice %arg6[%dma_start3A_54, %dma_start3A_55] : memref<16x896xf32, #tpu.memory_space<vmem>> -> memref<8x128xf32, #tpu.memory_space<vmem>>
    %dma_start3A_57 = arith.constant 8 : i32
    %dma_start3A_58 = tpu.memref_slice %arg2[%dma_start3A_57, %multiple_of3A_19] : memref<16x20000xf32, #tpu.memory_space<hbm>> -> memref<8x128xf32, #tpu.memory_space<hbm>>
    %dma_start3A_59 = arith.constant 8 : i32
    %dma_start3A_60 = arith.constant 0 : i32
    %dma_start3A_61 = tpu.memref_slice %arg6[%dma_start3A_59, %dma_start3A_60] : memref<16x896xf32, #tpu.memory_space<vmem>> -> memref<8x128xf32, #tpu.memory_space<vmem>>
    %dma_start3A_62 = arith.constant 8 : i32
    %dma_start3A_63 = tpu.memref_slice %arg2[%dma_start3A_62, %multiple_of3A_19] : memref<16x20000xf32, #tpu.memory_space<hbm>> -> memref<8x128xf32, #tpu.memory_space<hbm>>
    tpu.enqueue_dma source(%dma_start3A_63 : memref<8x128xf32, #tpu.memory_space<hbm>>) target(%dma_start3A_61 : memref<8x128xf32, #tpu.memory_space<vmem>>) target_semaphore(%arg11 : memref<!tpu.dma_semaphore, #tpu.memory_space<semaphore_mem>>)
    %dma_start3A_64 = arith.constant 8 : i32
    %dma_start3A_65 = arith.constant 128 : i32
    %dma_start3A_66 = tpu.memref_slice %arg6[%dma_start3A_64, %dma_start3A_65] : memref<16x896xf32, #tpu.memory_space<vmem>> -> memref<8x640xf32, #tpu.memory_space<vmem>>
    %dma_start3A_67 = arith.constant 8 : i32
    %dma_start3A_68 = tpu.memref_slice %arg2[%dma_start3A_67, %multiple_of3A] : memref<16x20000xf32, #tpu.memory_space<hbm>> -> memref<8x640xf32, #tpu.memory_space<hbm>>
    %dma_start3A_69 = arith.constant 8 : i32
    %dma_start3A_70 = arith.constant 128 : i32
    %dma_start3A_71 = tpu.memref_slice %arg6[%dma_start3A_69, %dma_start3A_70] : memref<16x896xf32, #tpu.memory_space<vmem>> -> memref<8x640xf32, #tpu.memory_space<vmem>>
    %dma_start3A_72 = arith.constant 8 : i32
    %dma_start3A_73 = tpu.memref_slice %arg2[%dma_start3A_72, %multiple_of3A] : memref<16x20000xf32, #tpu.memory_space<hbm>> -> memref<8x640xf32, #tpu.memory_space<hbm>>
    tpu.enqueue_dma source(%dma_start3A_73 : memref<8x640xf32, #tpu.memory_space<hbm>>) target(%dma_start3A_71 : memref<8x640xf32, #tpu.memory_space<vmem>>) target_semaphore(%arg11 : memref<!tpu.dma_semaphore, #tpu.memory_space<semaphore_mem>>)
    %dma_start3A_74 = arith.constant 8 : i32
    %dma_start3A_75 = arith.constant 768 : i32
    %dma_start3A_76 = tpu.memref_slice %arg6[%dma_start3A_74, %dma_start3A_75] : memref<16x896xf32, #tpu.memory_space<vmem>> -> memref<8x128xf32, #tpu.memory_space<vmem>>
    %dma_start3A_77 = arith.constant 8 : i32
    %dma_start3A_78 = tpu.memref_slice %arg2[%dma_start3A_77, %multiple_of3A_24] : memref<16x20000xf32, #tpu.memory_space<hbm>> -> memref<8x128xf32, #tpu.memory_space<hbm>>
    %dma_start3A_79 = arith.constant 8 : i32
    %dma_start3A_80 = arith.constant 768 : i32
    %dma_start3A_81 = tpu.memref_slice %arg6[%dma_start3A_79, %dma_start3A_80] : memref<16x896xf32, #tpu.memory_space<vmem>> -> memref<8x128xf32, #tpu.memory_space<vmem>>
    %dma_start3A_82 = arith.constant 8 : i32
    %dma_start3A_83 = tpu.memref_slice %arg2[%dma_start3A_82, %multiple_of3A_24] : memref<16x20000xf32, #tpu.memory_space<hbm>> -> memref<8x128xf32, #tpu.memory_space<hbm>>
    tpu.enqueue_dma source(%dma_start3A_83 : memref<8x128xf32, #tpu.memory_space<hbm>>) target(%dma_start3A_81 : memref<8x128xf32, #tpu.memory_space<vmem>>) target_semaphore(%arg11 : memref<!tpu.dma_semaphore, #tpu.memory_space<semaphore_mem>>)
    %dma_wait3A = arith.constant 0 : i32
    %dma_wait3A_84 = arith.constant 0 : i32
    %dma_wait3A_85 = tpu.memref_slice %arg6[%dma_wait3A, %dma_wait3A_84] : memref<16x896xf32, #tpu.memory_space<vmem>> -> memref<8x128xf32, #tpu.memory_space<vmem>>
    %dma_wait3A_86 = arith.constant 0 : i32
    %dma_wait3A_87 = tpu.memref_slice %arg2[%dma_wait3A_86, %multiple_of3A_19] : memref<16x20000xf32, #tpu.memory_space<hbm>> -> memref<8x128xf32, #tpu.memory_space<hbm>>
    %dma_wait3A_88 = arith.constant 0 : i32
    %dma_wait3A_89 = arith.constant 0 : i32
    %dma_wait3A_90 = tpu.memref_slice %arg6[%dma_wait3A_88, %dma_wait3A_89] : memref<16x896xf32, #tpu.memory_space<vmem>> -> memref<8x128xf32, #tpu.memory_space<vmem>>
    %dma_wait3A_91 = arith.constant 0 : i32
    %dma_wait3A_92 = tpu.memref_slice %arg2[%dma_wait3A_91, %multiple_of3A_19] : memref<16x20000xf32, #tpu.memory_space<hbm>> -> memref<8x128xf32, #tpu.memory_space<hbm>>
    tpu.wait_dma2 semaphore(%arg11 : memref<!tpu.dma_semaphore, #tpu.memory_space<semaphore_mem>>) src(%dma_wait3A_92 : memref<8x128xf32, #tpu.memory_space<hbm>>) dst(%dma_wait3A_90 : memref<8x128xf32, #tpu.memory_space<vmem>>)
    %dma_wait3A_93 = arith.constant 0 : i32
    %dma_wait3A_94 = arith.constant 128 : i32
    %dma_wait3A_95 = tpu.memref_slice %arg6[%dma_wait3A_93, %dma_wait3A_94] : memref<16x896xf32, #tpu.memory_space<vmem>> -> memref<8x640xf32, #tpu.memory_space<vmem>>
    %dma_wait3A_96 = arith.constant 0 : i32
    %dma_wait3A_97 = tpu.memref_slice %arg2[%dma_wait3A_96, %multiple_of3A] : memref<16x20000xf32, #tpu.memory_space<hbm>> -> memref<8x640xf32, #tpu.memory_space<hbm>>
    %dma_wait3A_98 = arith.constant 0 : i32
    %dma_wait3A_99 = arith.constant 128 : i32
    %dma_wait3A_100 = tpu.memref_slice %arg6[%dma_wait3A_98, %dma_wait3A_99] : memref<16x896xf32, #tpu.memory_space<vmem>> -> memref<8x640xf32, #tpu.memory_space<vmem>>
    %dma_wait3A_101 = arith.constant 0 : i32
    %dma_wait3A_102 = tpu.memref_slice %arg2[%dma_wait3A_101, %multiple_of3A] : memref<16x20000xf32, #tpu.memory_space<hbm>> -> memref<8x640xf32, #tpu.memory_space<hbm>>
    tpu.wait_dma2 semaphore(%arg11 : memref<!tpu.dma_semaphore, #tpu.memory_space<semaphore_mem>>) src(%dma_wait3A_102 : memref<8x640xf32, #tpu.memory_space<hbm>>) dst(%dma_wait3A_100 : memref<8x640xf32, #tpu.memory_space<vmem>>)
    %dma_wait3A_103 = arith.constant 0 : i32
    %dma_wait3A_104 = arith.constant 768 : i32
    %dma_wait3A_105 = tpu.memref_slice %arg6[%dma_wait3A_103, %dma_wait3A_104] : memref<16x896xf32, #tpu.memory_space<vmem>> -> memref<8x128xf32, #tpu.memory_space<vmem>>
    %dma_wait3A_106 = arith.constant 0 : i32
    %dma_wait3A_107 = tpu.memref_slice %arg2[%dma_wait3A_106, %multiple_of3A_24] : memref<16x20000xf32, #tpu.memory_space<hbm>> -> memref<8x128xf32, #tpu.memory_space<hbm>>
    %dma_wait3A_108 = arith.constant 0 : i32
    %dma_wait3A_109 = arith.constant 768 : i32
    %dma_wait3A_110 = tpu.memref_slice %arg6[%dma_wait3A_108, %dma_wait3A_109] : memref<16x896xf32, #tpu.memory_space<vmem>> -> memref<8x128xf32, #tpu.memory_space<vmem>>
    %dma_wait3A_111 = arith.constant 0 : i32
    %dma_wait3A_112 = tpu.memref_slice %arg2[%dma_wait3A_111, %multiple_of3A_24] : memref<16x20000xf32, #tpu.memory_space<hbm>> -> memref<8x128xf32, #tpu.memory_space<hbm>>
    tpu.wait_dma2 semaphore(%arg11 : memref<!tpu.dma_semaphore, #tpu.memory_space<semaphore_mem>>) src(%dma_wait3A_112 : memref<8x128xf32, #tpu.memory_space<hbm>>) dst(%dma_wait3A_110 : memref<8x128xf32, #tpu.memory_space<vmem>>)
    %parallel_loop3A = arith.constant 0 : i32
    %parallel_loop3A_113 = arith.constant 448 : i32
    %parallel_loop3A_114 = arith.constant 1 : i32
    scf.for %parallel_loop3A_251 = %parallel_loop3A to %parallel_loop3A_113 step %parallel_loop3A_114  : i32 {
      %parallel_loop3A_252 = arith.constant 56 : i32
      %parallel_loop3A_253 = arith.divsi %parallel_loop3A_251, %parallel_loop3A_252 : i32
      %parallel_loop3A_254 = arith.constant 0 : i32
      %parallel_loop3A_255 = arith.cmpi sgt, %parallel_loop3A_251, %parallel_loop3A_254 : i32
      %parallel_loop3A_256 = arith.extui %parallel_loop3A_255 : i1 to i32
      %parallel_loop3A_257 = arith.constant 0 : i32
      %parallel_loop3A_258 = arith.cmpi slt, %parallel_loop3A_251, %parallel_loop3A_257 : i32
      %parallel_loop3A_259 = arith.extui %parallel_loop3A_258 : i1 to i32
      %parallel_loop3A_260 = arith.subi %parallel_loop3A_256, %parallel_loop3A_259 : i32
      %parallel_loop3A_261 = arith.constant 0 : i32
      %parallel_loop3A_262 = arith.cmpi sgt, %parallel_loop3A_252, %parallel_loop3A_261 : i32
      %parallel_loop3A_263 = arith.extui %parallel_loop3A_262 : i1 to i32
      %parallel_loop3A_264 = arith.constant 0 : i32
      %parallel_loop3A_265 = arith.cmpi slt, %parallel_loop3A_252, %parallel_loop3A_264 : i32
      %parallel_loop3A_266 = arith.extui %parallel_loop3A_265 : i1 to i32
      %parallel_loop3A_267 = arith.subi %parallel_loop3A_263, %parallel_loop3A_266 : i32
      %parallel_loop3A_268 = arith.cmpi ne, %parallel_loop3A_260, %parallel_loop3A_267 : i32
      %parallel_loop3A_269 = arith.remsi %parallel_loop3A_251, %parallel_loop3A_252 : i32
      %parallel_loop3A_270 = arith.constant 0 : i32
      %parallel_loop3A_271 = arith.cmpi ne, %parallel_loop3A_269, %parallel_loop3A_270 : i32
      %parallel_loop3A_272 = arith.andi %parallel_loop3A_268, %parallel_loop3A_271 : i1
      %parallel_loop3A_273 = arith.constant 1 : i32
      %parallel_loop3A_274 = arith.subi %parallel_loop3A_253, %parallel_loop3A_273 : i32
      %parallel_loop3A_275 = arith.select %parallel_loop3A_272, %parallel_loop3A_274, %parallel_loop3A_253 : i32
      %parallel_loop3A_276 = arith.constant 56 : i32
      %parallel_loop3A_277 = arith.muli %parallel_loop3A_275, %parallel_loop3A_276 : i32
      %parallel_loop3A_278 = arith.subi %parallel_loop3A_251, %parallel_loop3A_277 : i32
      %parallel_loop3A_279 = arith.constant 0 : i32
      %parallel_loop3A_280 = arith.addi %parallel_loop3A_279, %parallel_loop3A_275 : i32
      %parallel_loop3A_281 = arith.constant 16 : i32
      %parallel_loop3A_282 = arith.muli %parallel_loop3A_278, %parallel_loop3A_281 : i32
      %parallel_loop3A_283 = arith.index_cast %parallel_loop3A_280 : i32 to index
      %parallel_loop3A_284 = arith.index_cast %parallel_loop3A_282 : i32 to index
      %parallel_loop3A_285 = tpu.vector_load %arg6[%parallel_loop3A_283, %parallel_loop3A_284] {strides = array<i32>} : memref<16x896xf32, #tpu.memory_space<vmem>>, vector<1x16xf32>,
      %parallel_loop3A_286 = vector.shape_cast %parallel_loop3A_285 : vector<1x16xf32> to vector<16xf32>
      %parallel_loop3A_287 = arith.constant 0 : i32
      %parallel_loop3A_288 = arith.addi %parallel_loop3A_287, %parallel_loop3A_275 : i32
      %parallel_loop3A_289 = arith.constant 896 : i32
      %parallel_loop3A_290 = arith.muli %parallel_loop3A_288, %parallel_loop3A_289 : i32
      %parallel_loop3A_291 = arith.constant 16 : i32
      %parallel_loop3A_292 = arith.muli %parallel_loop3A_278, %parallel_loop3A_291 : i32
      %parallel_loop3A_293 = arith.addi %parallel_loop3A_290, %parallel_loop3A_292 : i32
      %parallel_loop3A_294 = arith.index_cast %parallel_loop3A_293 : i32 to index
      %parallel_loop3A_295 = tpu.vector_load %arg7[%parallel_loop3A_294] {strides = array<i32>} : memref<14336xf32, #tpu.memory_space<vmem>>, vector<16xf32>,
      %parallel_loop3A_296 = vector.shape_cast %parallel_loop3A_295 : vector<16xf32> to vector<16xf32>
      %parallel_loop3A_297 = vector.shape_cast %parallel_loop3A_286 : vector<16xf32> to vector<16xf32>
      tpu.vector_store %arg7[%parallel_loop3A_294], %parallel_loop3A_297 {strides = array<i32>} : memref<14336xf32, #tpu.memory_space<vmem>>, vector<16xf32>,
    } {sc.loop_unroll_factor = 8 : i64, sc.parallel_access}
    %eq3A = arith.constant 0 : i32
    %eq3A_115 = arith.cmpi eq, %add3A, %eq3A : i32
    %convert_element_type3A = arith.extui %eq3A_115 : i1 to i32
    %cond3A = arith.constant 0 : i32
    %cond3A_116 = arith.cmpi ne, %convert_element_type3A, %cond3A : i32
    scf.if %cond3A_116 {
      %swap3A = arith.constant 112 : index
      %swap3A_251 = tpu.vector_load %arg7[%swap3A] {strides = array<i32>} : memref<14336xf32, #tpu.memory_space<vmem>>, vector<16xf32>,
      %swap3A_252 = vector.shape_cast %swap3A_251 : vector<16xf32> to vector<16xf32>
      %swap3A_253 = vector.shape_cast %broadcast_in_dim3A_13 : vector<16xf32> to vector<16xf32>
      tpu.vector_store %arg7[%swap3A], %swap3A_253 {strides = array<i32>} : memref<14336xf32, #tpu.memory_space<vmem>>, vector<16xf32>,
      %swap3A_254 = arith.constant 1008 : index
      %swap3A_255 = tpu.vector_load %arg7[%swap3A_254] {strides = array<i32>} : memref<14336xf32, #tpu.memory_space<vmem>>, vector<16xf32>,
      %swap3A_256 = vector.shape_cast %swap3A_255 : vector<16xf32> to vector<16xf32>
      %swap3A_257 = vector.shape_cast %broadcast_in_dim3A_13 : vector<16xf32> to vector<16xf32>
      tpu.vector_store %arg7[%swap3A_254], %swap3A_257 {strides = array<i32>} : memref<14336xf32, #tpu.memory_space<vmem>>, vector<16xf32>,
      %swap3A_258 = arith.constant 1904 : index
      %swap3A_259 = tpu.vector_load %arg7[%swap3A_258] {strides = array<i32>} : memref<14336xf32, #tpu.memory_space<vmem>>, vector<16xf32>,
      %swap3A_260 = vector.shape_cast %swap3A_259 : vector<16xf32> to vector<16xf32>
      %swap3A_261 = vector.shape_cast %broadcast_in_dim3A_13 : vector<16xf32> to vector<16xf32>
      tpu.vector_store %arg7[%swap3A_258], %swap3A_261 {strides = array<i32>} : memref<14336xf32, #tpu.memory_space<vmem>>, vector<16xf32>,
      %swap3A_262 = arith.constant 2800 : index
      %swap3A_263 = tpu.vector_load %arg7[%swap3A_262] {strides = array<i32>} : memref<14336xf32, #tpu.memory_space<vmem>>, vector<16xf32>,
      %swap3A_264 = vector.shape_cast %swap3A_263 : vector<16xf32> to vector<16xf32>
      %swap3A_265 = vector.shape_cast %broadcast_in_dim3A_13 : vector<16xf32> to vector<16xf32>
      tpu.vector_store %arg7[%swap3A_262], %swap3A_265 {strides = array<i32>} : memref<14336xf32, #tpu.memory_space<vmem>>, vector<16xf32>,
      %swap3A_266 = arith.constant 3696 : index
      %swap3A_267 = tpu.vector_load %arg7[%swap3A_266] {strides = array<i32>} : memref<14336xf32, #tpu.memory_space<vmem>>, vector<16xf32>,
      %swap3A_268 = vector.shape_cast %swap3A_267 : vector<16xf32> to vector<16xf32>
      %swap3A_269 = vector.shape_cast %broadcast_in_dim3A_13 : vector<16xf32> to vector<16xf32>
      tpu.vector_store %arg7[%swap3A_266], %swap3A_269 {strides = array<i32>} : memref<14336xf32, #tpu.memory_space<vmem>>, vector<16xf32>,
      %swap3A_270 = arith.constant 4592 : index
      %swap3A_271 = tpu.vector_load %arg7[%swap3A_270] {strides = array<i32>} : memref<14336xf32, #tpu.memory_space<vmem>>, vector<16xf32>,
      %swap3A_272 = vector.shape_cast %swap3A_271 : vector<16xf32> to vector<16xf32>
      %swap3A_273 = vector.shape_cast %broadcast_in_dim3A_13 : vector<16xf32> to vector<16xf32>
      tpu.vector_store %arg7[%swap3A_270], %swap3A_273 {strides = array<i32>} : memref<14336xf32, #tpu.memory_space<vmem>>, vector<16xf32>,
      %swap3A_274 = arith.constant 5488 : index
      %swap3A_275 = tpu.vector_load %arg7[%swap3A_274] {strides = array<i32>} : memref<14336xf32, #tpu.memory_space<vmem>>, vector<16xf32>,
      %swap3A_276 = vector.shape_cast %swap3A_275 : vector<16xf32> to vector<16xf32>
      %swap3A_277 = vector.shape_cast %broadcast_in_dim3A_13 : vector<16xf32> to vector<16xf32>
      tpu.vector_store %arg7[%swap3A_274], %swap3A_277 {strides = array<i32>} : memref<14336xf32, #tpu.memory_space<vmem>>, vector<16xf32>,
      %swap3A_278 = arith.constant 6384 : index
      %swap3A_279 = tpu.vector_load %arg7[%swap3A_278] {strides = array<i32>} : memref<14336xf32, #tpu.memory_space<vmem>>, vector<16xf32>,
      %swap3A_280 = vector.shape_cast %swap3A_279 : vector<16xf32> to vector<16xf32>
      %swap3A_281 = vector.shape_cast %broadcast_in_dim3A_13 : vector<16xf32> to vector<16xf32>
      tpu.vector_store %arg7[%swap3A_278], %swap3A_281 {strides = array<i32>} : memref<14336xf32, #tpu.memory_space<vmem>>, vector<16xf32>,
    } else {
    }
    %eq3A_117 = arith.constant 31 : i32
    %eq3A_118 = arith.cmpi eq, %add3A, %eq3A_117 : i32
    %convert_element_type3A_119 = arith.extui %eq3A_118 : i1 to i32
    %cond3A_120 = arith.constant 0 : i32
    %cond3A_121 = arith.cmpi ne, %convert_element_type3A_119, %cond3A_120 : i32
    scf.if %cond3A_121 {
      %swap3A = arith.constant 672 : index
      %swap3A_251 = tpu.vector_load %arg7[%swap3A] {strides = array<i32>} : memref<14336xf32, #tpu.memory_space<vmem>>, vector<16xf32>,
      %swap3A_252 = vector.shape_cast %swap3A_251 : vector<16xf32> to vector<16xf32>
      %swap3A_253 = vector.shape_cast %broadcast_in_dim3A_13 : vector<16xf32> to vector<16xf32>
      tpu.vector_store %arg7[%swap3A], %swap3A_253 {strides = array<i32>} : memref<14336xf32, #tpu.memory_space<vmem>>, vector<16xf32>,
      %swap3A_254 = arith.constant 1568 : index
      %swap3A_255 = tpu.vector_load %arg7[%swap3A_254] {strides = array<i32>} : memref<14336xf32, #tpu.memory_space<vmem>>, vector<16xf32>,
      %swap3A_256 = vector.shape_cast %swap3A_255 : vector<16xf32> to vector<16xf32>
      %swap3A_257 = vector.shape_cast %broadcast_in_dim3A_13 : vector<16xf32> to vector<16xf32>
      tpu.vector_store %arg7[%swap3A_254], %swap3A_257 {strides = array<i32>} : memref<14336xf32, #tpu.memory_space<vmem>>, vector<16xf32>,
      %swap3A_258 = arith.constant 2464 : index
      %swap3A_259 = tpu.vector_load %arg7[%swap3A_258] {strides = array<i32>} : memref<14336xf32, #tpu.memory_space<vmem>>, vector<16xf32>,
      %swap3A_260 = vector.shape_cast %swap3A_259 : vector<16xf32> to vector<16xf32>
      %swap3A_261 = vector.shape_cast %broadcast_in_dim3A_13 : vector<16xf32> to vector<16xf32>
      tpu.vector_store %arg7[%swap3A_258], %swap3A_261 {strides = array<i32>} : memref<14336xf32, #tpu.memory_space<vmem>>, vector<16xf32>,
      %swap3A_262 = arith.constant 3360 : index
      %swap3A_263 = tpu.vector_load %arg7[%swap3A_262] {strides = array<i32>} : memref<14336xf32, #tpu.memory_space<vmem>>, vector<16xf32>,
      %swap3A_264 = vector.shape_cast %swap3A_263 : vector<16xf32> to vector<16xf32>
      %swap3A_265 = vector.shape_cast %broadcast_in_dim3A_13 : vector<16xf32> to vector<16xf32>
      tpu.vector_store %arg7[%swap3A_262], %swap3A_265 {strides = array<i32>} : memref<14336xf32, #tpu.memory_space<vmem>>, vector<16xf32>,
      %swap3A_266 = arith.constant 4256 : index
      %swap3A_267 = tpu.vector_load %arg7[%swap3A_266] {strides = array<i32>} : memref<14336xf32, #tpu.memory_space<vmem>>, vector<16xf32>,
      %swap3A_268 = vector.shape_cast %swap3A_267 : vector<16xf32> to vector<16xf32>
      %swap3A_269 = vector.shape_cast %broadcast_in_dim3A_13 : vector<16xf32> to vector<16xf32>
      tpu.vector_store %arg7[%swap3A_266], %swap3A_269 {strides = array<i32>} : memref<14336xf32, #tpu.memory_space<vmem>>, vector<16xf32>,
      %swap3A_270 = arith.constant 5152 : index
      %swap3A_271 = tpu.vector_load %arg7[%swap3A_270] {strides = array<i32>} : memref<14336xf32, #tpu.memory_space<vmem>>, vector<16xf32>,
      %swap3A_272 = vector.shape_cast %swap3A_271 : vector<16xf32> to vector<16xf32>
      %swap3A_273 = vector.shape_cast %broadcast_in_dim3A_13 : vector<16xf32> to vector<16xf32>
      tpu.vector_store %arg7[%swap3A_270], %swap3A_273 {strides = array<i32>} : memref<14336xf32, #tpu.memory_space<vmem>>, vector<16xf32>,
      %swap3A_274 = arith.constant 6048 : index
      %swap3A_275 = tpu.vector_load %arg7[%swap3A_274] {strides = array<i32>} : memref<14336xf32, #tpu.memory_space<vmem>>, vector<16xf32>,
      %swap3A_276 = vector.shape_cast %swap3A_275 : vector<16xf32> to vector<16xf32>
      %swap3A_277 = vector.shape_cast %broadcast_in_dim3A_13 : vector<16xf32> to vector<16xf32>
      tpu.vector_store %arg7[%swap3A_274], %swap3A_277 {strides = array<i32>} : memref<14336xf32, #tpu.memory_space<vmem>>, vector<16xf32>,
      %swap3A_278 = arith.constant 6944 : index
      %swap3A_279 = tpu.vector_load %arg7[%swap3A_278] {strides = array<i32>} : memref<14336xf32, #tpu.memory_space<vmem>>, vector<16xf32>,
      %swap3A_280 = vector.shape_cast %swap3A_279 : vector<16xf32> to vector<16xf32>
      %swap3A_281 = vector.shape_cast %broadcast_in_dim3A_13 : vector<16xf32> to vector<16xf32>
      tpu.vector_store %arg7[%swap3A_278], %swap3A_281 {strides = array<i32>} : memref<14336xf32, #tpu.memory_space<vmem>>, vector<16xf32>,
    } else {
    }
    %parallel_loop3A_122 = arith.constant 0 : i32
    %parallel_loop3A_123 = arith.constant 320 : i32
    %parallel_loop3A_124 = arith.constant 1 : i32
    scf.for %parallel_loop3A_251 = %parallel_loop3A_122 to %parallel_loop3A_123 step %parallel_loop3A_124  : i32 {
      %parallel_loop3A_252 = arith.constant 40 : i32
      %parallel_loop3A_253 = arith.divsi %parallel_loop3A_251, %parallel_loop3A_252 : i32
      %parallel_loop3A_254 = arith.constant 0 : i32
      %parallel_loop3A_255 = arith.cmpi sgt, %parallel_loop3A_251, %parallel_loop3A_254 : i32
      %parallel_loop3A_256 = arith.extui %parallel_loop3A_255 : i1 to i32
      %parallel_loop3A_257 = arith.constant 0 : i32
      %parallel_loop3A_258 = arith.cmpi slt, %parallel_loop3A_251, %parallel_loop3A_257 : i32
      %parallel_loop3A_259 = arith.extui %parallel_loop3A_258 : i1 to i32
      %parallel_loop3A_260 = arith.subi %parallel_loop3A_256, %parallel_loop3A_259 : i32
      %parallel_loop3A_261 = arith.constant 0 : i32
      %parallel_loop3A_262 = arith.cmpi sgt, %parallel_loop3A_252, %parallel_loop3A_261 : i32
      %parallel_loop3A_263 = arith.extui %parallel_loop3A_262 : i1 to i32
      %parallel_loop3A_264 = arith.constant 0 : i32
      %parallel_loop3A_265 = arith.cmpi slt, %parallel_loop3A_252, %parallel_loop3A_264 : i32
      %parallel_loop3A_266 = arith.extui %parallel_loop3A_265 : i1 to i32
      %parallel_loop3A_267 = arith.subi %parallel_loop3A_263, %parallel_loop3A_266 : i32
      %parallel_loop3A_268 = arith.cmpi ne, %parallel_loop3A_260, %parallel_loop3A_267 : i32
      %parallel_loop3A_269 = arith.remsi %parallel_loop3A_251, %parallel_loop3A_252 : i32
      %parallel_loop3A_270 = arith.constant 0 : i32
      %parallel_loop3A_271 = arith.cmpi ne, %parallel_loop3A_269, %parallel_loop3A_270 : i32
      %parallel_loop3A_272 = arith.andi %parallel_loop3A_268, %parallel_loop3A_271 : i1
      %parallel_loop3A_273 = arith.constant 1 : i32
      %parallel_loop3A_274 = arith.subi %parallel_loop3A_253, %parallel_loop3A_273 : i32
      %parallel_loop3A_275 = arith.select %parallel_loop3A_272, %parallel_loop3A_274, %parallel_loop3A_253 : i32
      %parallel_loop3A_276 = arith.constant 40 : i32
      %parallel_loop3A_277 = arith.muli %parallel_loop3A_275, %parallel_loop3A_276 : i32
      %parallel_loop3A_278 = arith.subi %parallel_loop3A_251, %parallel_loop3A_277 : i32
      %parallel_loop3A_279 = arith.constant 0 : i32
      %parallel_loop3A_280 = arith.addi %parallel_loop3A_279, %parallel_loop3A_275 : i32
      %parallel_loop3A_281 = arith.constant 896 : i32
      %parallel_loop3A_282 = arith.muli %parallel_loop3A_280, %parallel_loop3A_281 : i32
      %parallel_loop3A_283 = arith.constant 128 : i32
      %parallel_loop3A_284 = arith.addi %parallel_loop3A_282, %parallel_loop3A_283 : i32
      %parallel_loop3A_285 = arith.constant 16 : i32
      %parallel_loop3A_286 = arith.muli %parallel_loop3A_278, %parallel_loop3A_285 : i32
      %parallel_loop3A_287 = arith.addi %parallel_loop3A_284, %parallel_loop3A_286 : i32
      %parallel_loop3A_288 = arith.index_cast %parallel_loop3A_287 : i32 to index
      %parallel_loop3A_289 = tpu.vector_load %arg7[%parallel_loop3A_288] {strides = array<i32>} : memref<14336xf32, #tpu.memory_space<vmem>>, vector<16xf32>,
      %parallel_loop3A_290 = vector.shape_cast %parallel_loop3A_289 : vector<16xf32> to vector<16xf32>
      %parallel_loop3A_291 = arith.constant 2 : i32
      %parallel_loop3A_292 = arith.subi %parallel_loop3A_287, %parallel_loop3A_291 : i32
      %parallel_loop3A_293 = arith.index_cast %parallel_loop3A_292 : i32 to index
      %parallel_loop3A_294 = tpu.vector_load %arg7[%parallel_loop3A_293] {strides = array<i32>} : memref<14336xf32, #tpu.memory_space<vmem>>, vector<16xf32>,
      %parallel_loop3A_295 = vector.shape_cast %parallel_loop3A_294 : vector<16xf32> to vector<16xf32>
      %parallel_loop3A_296 = arith.constant 1 : i32
      %parallel_loop3A_297 = arith.subi %parallel_loop3A_287, %parallel_loop3A_296 : i32
      %parallel_loop3A_298 = arith.index_cast %parallel_loop3A_297 : i32 to index
      %parallel_loop3A_299 = tpu.vector_load %arg7[%parallel_loop3A_298] {strides = array<i32>} : memref<14336xf32, #tpu.memory_space<vmem>>, vector<16xf32>,
      %parallel_loop3A_300 = vector.shape_cast %parallel_loop3A_299 : vector<16xf32> to vector<16xf32>
      %parallel_loop3A_301 = arith.maximumf %parallel_loop3A_295, %parallel_loop3A_300 : vector<16xf32>
      %parallel_loop3A_302 = arith.constant 1 : i32
      %parallel_loop3A_303 = arith.addi %parallel_loop3A_287, %parallel_loop3A_302 : i32
      %parallel_loop3A_304 = arith.index_cast %parallel_loop3A_303 : i32 to index
      %parallel_loop3A_305 = tpu.vector_load %arg7[%parallel_loop3A_304] {strides = array<i32>} : memref<14336xf32, #tpu.memory_space<vmem>>, vector<16xf32>,
      %parallel_loop3A_306 = vector.shape_cast %parallel_loop3A_305 : vector<16xf32> to vector<16xf32>
      %parallel_loop3A_307 = arith.constant 2 : i32
      %parallel_loop3A_308 = arith.addi %parallel_loop3A_287, %parallel_loop3A_307 : i32
      %parallel_loop3A_309 = arith.index_cast %parallel_loop3A_308 : i32 to index
      %parallel_loop3A_310 = tpu.vector_load %arg7[%parallel_loop3A_309] {strides = array<i32>} : memref<14336xf32, #tpu.memory_space<vmem>>, vector<16xf32>,
      %parallel_loop3A_311 = vector.shape_cast %parallel_loop3A_310 : vector<16xf32> to vector<16xf32>
      %parallel_loop3A_312 = arith.maximumf %parallel_loop3A_306, %parallel_loop3A_311 : vector<16xf32>
      %parallel_loop3A_313 = arith.maximumf %parallel_loop3A_301, %parallel_loop3A_312 : vector<16xf32>
      %parallel_loop3A_314 = arith.maximumf %parallel_loop3A_290, %parallel_loop3A_313 : vector<16xf32>
      %parallel_loop3A_315 = arith.constant 1.000000e+01 : f32
      %parallel_loop3A_316 = vector.broadcast %parallel_loop3A_315 : f32 to vector<16xf32>
      %parallel_loop3A_317 = arith.mulf %parallel_loop3A_316, %parallel_loop3A_290 : vector<16xf32>
      %parallel_loop3A_318 = arith.subf %mul3A_12, %parallel_loop3A_317 : vector<16xf32>
      %parallel_loop3A_319 = math.exp %parallel_loop3A_318 : vector<16xf32>
      %parallel_loop3A_320 = arith.constant 1.000000e+01 : f32
      %parallel_loop3A_321 = vector.broadcast %parallel_loop3A_320 : f32 to vector<16xf32>
      %parallel_loop3A_322 = arith.mulf %parallel_loop3A_321, %parallel_loop3A_314 : vector<16xf32>
      %parallel_loop3A_323 = arith.subf %parallel_loop3A_322, %parallel_loop3A_317 : vector<16xf32>
      %parallel_loop3A_324 = math.exp %parallel_loop3A_323 : vector<16xf32>
      %parallel_loop3A_325 = arith.constant 1.000000e+00 : f32
      %parallel_loop3A_326 = vector.broadcast %parallel_loop3A_325 : f32 to vector<16xf32>
      %parallel_loop3A_327 = arith.addf %parallel_loop3A_326, %parallel_loop3A_319 : vector<16xf32>
      %parallel_loop3A_328 = arith.constant 1.000000e+00 : f32
      %parallel_loop3A_329 = vector.broadcast %parallel_loop3A_328 : f32 to vector<16xf32>
      %parallel_loop3A_330 = arith.addf %parallel_loop3A_329, %parallel_loop3A_324 : vector<16xf32>
      %parallel_loop3A_331 = arith.mulf %parallel_loop3A_327, %parallel_loop3A_330 : vector<16xf32>
      %parallel_loop3A_332 = arith.divf %parallel_loop3A_290, %parallel_loop3A_331 : vector<16xf32>
      %parallel_loop3A_333 = arith.constant 16 : i32
      %parallel_loop3A_334 = arith.muli %parallel_loop3A_278, %parallel_loop3A_333 : i32
      %parallel_loop3A_335 = arith.constant 0 : i32
      %parallel_loop3A_336 = arith.addi %parallel_loop3A_335, %parallel_loop3A_275 : i32
      %parallel_loop3A_337 = arith.index_cast %parallel_loop3A_336 : i32 to index
      %parallel_loop3A_338 = arith.index_cast %parallel_loop3A_334 : i32 to index
      %parallel_loop3A_339 = tpu.vector_load %arg8[%parallel_loop3A_337, %parallel_loop3A_338] {strides = array<i32>} : memref<16x640xf32, #tpu.memory_space<vmem>>, vector<1x16xf32>,
      %parallel_loop3A_340 = vector.shape_cast %parallel_loop3A_339 : vector<1x16xf32> to vector<16xf32>
      %parallel_loop3A_341 = vector.shape_cast %parallel_loop3A_332 : vector<16xf32> to vector<1x16xf32>
      tpu.vector_store %arg8[%parallel_loop3A_337, %parallel_loop3A_338], %parallel_loop3A_341 {strides = array<i32>} : memref<16x640xf32, #tpu.memory_space<vmem>>, vector<1x16xf32>,
      %parallel_loop3A_342 = arith.cmpf oge, %parallel_loop3A_332, %div3A_9 : vector<16xf32>
      %parallel_loop3A_343 = arith.constant 0.000000e+00 : f32
      %parallel_loop3A_344 = vector.broadcast %parallel_loop3A_343 : f32 to vector<16xf32>
      %parallel_loop3A_345 = arith.select %parallel_loop3A_342, %parallel_loop3A_290, %parallel_loop3A_344 : vector<16xi1>, vector<16xf32>
      %parallel_loop3A_346 = arith.constant 0 : i32
      %parallel_loop3A_347 = arith.addi %parallel_loop3A_346, %parallel_loop3A_275 : i32
      %parallel_loop3A_348 = arith.index_cast %parallel_loop3A_347 : i32 to index
      %parallel_loop3A_349 = arith.index_cast %parallel_loop3A_334 : i32 to index
      %parallel_loop3A_350 = tpu.vector_load %arg9[%parallel_loop3A_348, %parallel_loop3A_349] {strides = array<i32>} : memref<16x640xf32, #tpu.memory_space<vmem>>, vector<1x16xf32>,
      %parallel_loop3A_351 = vector.shape_cast %parallel_loop3A_350 : vector<1x16xf32> to vector<16xf32>
      %parallel_loop3A_352 = vector.shape_cast %parallel_loop3A_345 : vector<16xf32> to vector<1x16xf32>
      tpu.vector_store %arg9[%parallel_loop3A_348, %parallel_loop3A_349], %parallel_loop3A_352 {strides = array<i32>} : memref<16x640xf32, #tpu.memory_space<vmem>>, vector<1x16xf32>,
    } {sc.loop_unroll_factor = 4 : i64, sc.parallel_access}
    %dma_start3A_125 = arith.constant 0 : i32
    %dma_start3A_126 = arith.constant 0 : i32
    %dma_start3A_127 = tpu.memref_slice %arg8[%dma_start3A_125, %dma_start3A_126] : memref<16x640xf32, #tpu.memory_space<vmem>> -> memref<8x640xf32, #tpu.memory_space<vmem>>
    %dma_start3A_128 = arith.constant 0 : i32
    %dma_start3A_129 = tpu.memref_slice %arg4[%dma_start3A_128, %multiple_of3A] : memref<16x20000xf32, #tpu.memory_space<hbm>> -> memref<8x640xf32, #tpu.memory_space<hbm>>
    %dma_start3A_130 = arith.constant 0 : i32
    %dma_start3A_131 = tpu.memref_slice %arg4[%dma_start3A_130, %multiple_of3A] : memref<16x20000xf32, #tpu.memory_space<hbm>> -> memref<8x640xf32, #tpu.memory_space<hbm>>
    %dma_start3A_132 = arith.constant 0 : i32
    %dma_start3A_133 = arith.constant 0 : i32
    %dma_start3A_134 = tpu.memref_slice %arg8[%dma_start3A_132, %dma_start3A_133] : memref<16x640xf32, #tpu.memory_space<vmem>> -> memref<8x640xf32, #tpu.memory_space<vmem>>
    tpu.enqueue_dma source(%dma_start3A_134 : memref<8x640xf32, #tpu.memory_space<vmem>>) target(%dma_start3A_131 : memref<8x640xf32, #tpu.memory_space<hbm>>) target_semaphore(%arg11 : memref<!tpu.dma_semaphore, #tpu.memory_space<semaphore_mem>>)
    %dma_start3A_135 = arith.constant 0 : i32
    %dma_start3A_136 = arith.constant 0 : i32
    %dma_start3A_137 = tpu.memref_slice %arg9[%dma_start3A_135, %dma_start3A_136] : memref<16x640xf32, #tpu.memory_space<vmem>> -> memref<8x640xf32, #tpu.memory_space<vmem>>
    %dma_start3A_138 = arith.constant 0 : i32
    %dma_start3A_139 = tpu.memref_slice %arg5[%dma_start3A_138, %multiple_of3A] : memref<16x20000xf32, #tpu.memory_space<hbm>> -> memref<8x640xf32, #tpu.memory_space<hbm>>
    %dma_start3A_140 = arith.constant 0 : i32
    %dma_start3A_141 = tpu.memref_slice %arg5[%dma_start3A_140, %multiple_of3A] : memref<16x20000xf32, #tpu.memory_space<hbm>> -> memref<8x640xf32, #tpu.memory_space<hbm>>
    %dma_start3A_142 = arith.constant 0 : i32
    %dma_start3A_143 = arith.constant 0 : i32
    %dma_start3A_144 = tpu.memref_slice %arg9[%dma_start3A_142, %dma_start3A_143] : memref<16x640xf32, #tpu.memory_space<vmem>> -> memref<8x640xf32, #tpu.memory_space<vmem>>
    tpu.enqueue_dma source(%dma_start3A_144 : memref<8x640xf32, #tpu.memory_space<vmem>>) target(%dma_start3A_141 : memref<8x640xf32, #tpu.memory_space<hbm>>) target_semaphore(%arg11 : memref<!tpu.dma_semaphore, #tpu.memory_space<semaphore_mem>>)
    %dma_wait3A_145 = arith.constant 8 : i32
    %dma_wait3A_146 = arith.constant 0 : i32
    %dma_wait3A_147 = tpu.memref_slice %arg6[%dma_wait3A_145, %dma_wait3A_146] : memref<16x896xf32, #tpu.memory_space<vmem>> -> memref<8x128xf32, #tpu.memory_space<vmem>>
    %dma_wait3A_148 = arith.constant 8 : i32
    %dma_wait3A_149 = tpu.memref_slice %arg2[%dma_wait3A_148, %multiple_of3A_19] : memref<16x20000xf32, #tpu.memory_space<hbm>> -> memref<8x128xf32, #tpu.memory_space<hbm>>
    %dma_wait3A_150 = arith.constant 8 : i32
    %dma_wait3A_151 = arith.constant 0 : i32
    %dma_wait3A_152 = tpu.memref_slice %arg6[%dma_wait3A_150, %dma_wait3A_151] : memref<16x896xf32, #tpu.memory_space<vmem>> -> memref<8x128xf32, #tpu.memory_space<vmem>>
    %dma_wait3A_153 = arith.constant 8 : i32
    %dma_wait3A_154 = tpu.memref_slice %arg2[%dma_wait3A_153, %multiple_of3A_19] : memref<16x20000xf32, #tpu.memory_space<hbm>> -> memref<8x128xf32, #tpu.memory_space<hbm>>
    tpu.wait_dma2 semaphore(%arg11 : memref<!tpu.dma_semaphore, #tpu.memory_space<semaphore_mem>>) src(%dma_wait3A_154 : memref<8x128xf32, #tpu.memory_space<hbm>>) dst(%dma_wait3A_152 : memref<8x128xf32, #tpu.memory_space<vmem>>)
    %dma_wait3A_155 = arith.constant 8 : i32
    %dma_wait3A_156 = arith.constant 128 : i32
    %dma_wait3A_157 = tpu.memref_slice %arg6[%dma_wait3A_155, %dma_wait3A_156] : memref<16x896xf32, #tpu.memory_space<vmem>> -> memref<8x640xf32, #tpu.memory_space<vmem>>
    %dma_wait3A_158 = arith.constant 8 : i32
    %dma_wait3A_159 = tpu.memref_slice %arg2[%dma_wait3A_158, %multiple_of3A] : memref<16x20000xf32, #tpu.memory_space<hbm>> -> memref<8x640xf32, #tpu.memory_space<hbm>>
    %dma_wait3A_160 = arith.constant 8 : i32
    %dma_wait3A_161 = arith.constant 128 : i32
    %dma_wait3A_162 = tpu.memref_slice %arg6[%dma_wait3A_160, %dma_wait3A_161] : memref<16x896xf32, #tpu.memory_space<vmem>> -> memref<8x640xf32, #tpu.memory_space<vmem>>
    %dma_wait3A_163 = arith.constant 8 : i32
    %dma_wait3A_164 = tpu.memref_slice %arg2[%dma_wait3A_163, %multiple_of3A] : memref<16x20000xf32, #tpu.memory_space<hbm>> -> memref<8x640xf32, #tpu.memory_space<hbm>>
    tpu.wait_dma2 semaphore(%arg11 : memref<!tpu.dma_semaphore, #tpu.memory_space<semaphore_mem>>) src(%dma_wait3A_164 : memref<8x640xf32, #tpu.memory_space<hbm>>) dst(%dma_wait3A_162 : memref<8x640xf32, #tpu.memory_space<vmem>>)
    %dma_wait3A_165 = arith.constant 8 : i32
    %dma_wait3A_166 = arith.constant 768 : i32
    %dma_wait3A_167 = tpu.memref_slice %arg6[%dma_wait3A_165, %dma_wait3A_166] : memref<16x896xf32, #tpu.memory_space<vmem>> -> memref<8x128xf32, #tpu.memory_space<vmem>>
    %dma_wait3A_168 = arith.constant 8 : i32
    %dma_wait3A_169 = tpu.memref_slice %arg2[%dma_wait3A_168, %multiple_of3A_24] : memref<16x20000xf32, #tpu.memory_space<hbm>> -> memref<8x128xf32, #tpu.memory_space<hbm>>
    %dma_wait3A_170 = arith.constant 8 : i32
    %dma_wait3A_171 = arith.constant 768 : i32
    %dma_wait3A_172 = tpu.memref_slice %arg6[%dma_wait3A_170, %dma_wait3A_171] : memref<16x896xf32, #tpu.memory_space<vmem>> -> memref<8x128xf32, #tpu.memory_space<vmem>>
    %dma_wait3A_173 = arith.constant 8 : i32
    %dma_wait3A_174 = tpu.memref_slice %arg2[%dma_wait3A_173, %multiple_of3A_24] : memref<16x20000xf32, #tpu.memory_space<hbm>> -> memref<8x128xf32, #tpu.memory_space<hbm>>
    tpu.wait_dma2 semaphore(%arg11 : memref<!tpu.dma_semaphore, #tpu.memory_space<semaphore_mem>>) src(%dma_wait3A_174 : memref<8x128xf32, #tpu.memory_space<hbm>>) dst(%dma_wait3A_172 : memref<8x128xf32, #tpu.memory_space<vmem>>)
    %parallel_loop3A_175 = arith.constant 0 : i32
    %parallel_loop3A_176 = arith.constant 448 : i32
    %parallel_loop3A_177 = arith.constant 1 : i32
    scf.for %parallel_loop3A_251 = %parallel_loop3A_175 to %parallel_loop3A_176 step %parallel_loop3A_177  : i32 {
      %parallel_loop3A_252 = arith.constant 56 : i32
      %parallel_loop3A_253 = arith.divsi %parallel_loop3A_251, %parallel_loop3A_252 : i32
      %parallel_loop3A_254 = arith.constant 0 : i32
      %parallel_loop3A_255 = arith.cmpi sgt, %parallel_loop3A_251, %parallel_loop3A_254 : i32
      %parallel_loop3A_256 = arith.extui %parallel_loop3A_255 : i1 to i32
      %parallel_loop3A_257 = arith.constant 0 : i32
      %parallel_loop3A_258 = arith.cmpi slt, %parallel_loop3A_251, %parallel_loop3A_257 : i32
      %parallel_loop3A_259 = arith.extui %parallel_loop3A_258 : i1 to i32
      %parallel_loop3A_260 = arith.subi %parallel_loop3A_256, %parallel_loop3A_259 : i32
      %parallel_loop3A_261 = arith.constant 0 : i32
      %parallel_loop3A_262 = arith.cmpi sgt, %parallel_loop3A_252, %parallel_loop3A_261 : i32
      %parallel_loop3A_263 = arith.extui %parallel_loop3A_262 : i1 to i32
      %parallel_loop3A_264 = arith.constant 0 : i32
      %parallel_loop3A_265 = arith.cmpi slt, %parallel_loop3A_252, %parallel_loop3A_264 : i32
      %parallel_loop3A_266 = arith.extui %parallel_loop3A_265 : i1 to i32
      %parallel_loop3A_267 = arith.subi %parallel_loop3A_263, %parallel_loop3A_266 : i32
      %parallel_loop3A_268 = arith.cmpi ne, %parallel_loop3A_260, %parallel_loop3A_267 : i32
      %parallel_loop3A_269 = arith.remsi %parallel_loop3A_251, %parallel_loop3A_252 : i32
      %parallel_loop3A_270 = arith.constant 0 : i32
      %parallel_loop3A_271 = arith.cmpi ne, %parallel_loop3A_269, %parallel_loop3A_270 : i32
      %parallel_loop3A_272 = arith.andi %parallel_loop3A_268, %parallel_loop3A_271 : i1
      %parallel_loop3A_273 = arith.constant 1 : i32
      %parallel_loop3A_274 = arith.subi %parallel_loop3A_253, %parallel_loop3A_273 : i32
      %parallel_loop3A_275 = arith.select %parallel_loop3A_272, %parallel_loop3A_274, %parallel_loop3A_253 : i32
      %parallel_loop3A_276 = arith.constant 56 : i32
      %parallel_loop3A_277 = arith.muli %parallel_loop3A_275, %parallel_loop3A_276 : i32
      %parallel_loop3A_278 = arith.subi %parallel_loop3A_251, %parallel_loop3A_277 : i32
      %parallel_loop3A_279 = arith.constant 8 : i32
      %parallel_loop3A_280 = arith.addi %parallel_loop3A_279, %parallel_loop3A_275 : i32
      %parallel_loop3A_281 = arith.constant 16 : i32
      %parallel_loop3A_282 = arith.muli %parallel_loop3A_278, %parallel_loop3A_281 : i32
      %parallel_loop3A_283 = arith.index_cast %parallel_loop3A_280 : i32 to index
      %parallel_loop3A_284 = arith.index_cast %parallel_loop3A_282 : i32 to index
      %parallel_loop3A_285 = tpu.vector_load %arg6[%parallel_loop3A_283, %parallel_loop3A_284] {strides = array<i32>} : memref<16x896xf32, #tpu.memory_space<vmem>>, vector<1x16xf32>,
      %parallel_loop3A_286 = vector.shape_cast %parallel_loop3A_285 : vector<1x16xf32> to vector<16xf32>
      %parallel_loop3A_287 = arith.constant 8 : i32
      %parallel_loop3A_288 = arith.addi %parallel_loop3A_287, %parallel_loop3A_275 : i32
      %parallel_loop3A_289 = arith.constant 896 : i32
      %parallel_loop3A_290 = arith.muli %parallel_loop3A_288, %parallel_loop3A_289 : i32
      %parallel_loop3A_291 = arith.constant 16 : i32
      %parallel_loop3A_292 = arith.muli %parallel_loop3A_278, %parallel_loop3A_291 : i32
      %parallel_loop3A_293 = arith.addi %parallel_loop3A_290, %parallel_loop3A_292 : i32
      %parallel_loop3A_294 = arith.index_cast %parallel_loop3A_293 : i32 to index
      %parallel_loop3A_295 = tpu.vector_load %arg7[%parallel_loop3A_294] {strides = array<i32>} : memref<14336xf32, #tpu.memory_space<vmem>>, vector<16xf32>,
      %parallel_loop3A_296 = vector.shape_cast %parallel_loop3A_295 : vector<16xf32> to vector<16xf32>
      %parallel_loop3A_297 = vector.shape_cast %parallel_loop3A_286 : vector<16xf32> to vector<16xf32>
      tpu.vector_store %arg7[%parallel_loop3A_294], %parallel_loop3A_297 {strides = array<i32>} : memref<14336xf32, #tpu.memory_space<vmem>>, vector<16xf32>,
    } {sc.loop_unroll_factor = 8 : i64, sc.parallel_access}
    %eq3A_178 = arith.constant 0 : i32
    %eq3A_179 = arith.cmpi eq, %add3A, %eq3A_178 : i32
    %convert_element_type3A_180 = arith.extui %eq3A_179 : i1 to i32
    %cond3A_181 = arith.constant 0 : i32
    %cond3A_182 = arith.cmpi ne, %convert_element_type3A_180, %cond3A_181 : i32
    scf.if %cond3A_182 {
      %swap3A = arith.constant 7280 : index
      %swap3A_251 = tpu.vector_load %arg7[%swap3A] {strides = array<i32>} : memref<14336xf32, #tpu.memory_space<vmem>>, vector<16xf32>,
      %swap3A_252 = vector.shape_cast %swap3A_251 : vector<16xf32> to vector<16xf32>
      %swap3A_253 = vector.shape_cast %broadcast_in_dim3A_13 : vector<16xf32> to vector<16xf32>
      tpu.vector_store %arg7[%swap3A], %swap3A_253 {strides = array<i32>} : memref<14336xf32, #tpu.memory_space<vmem>>, vector<16xf32>,
      %swap3A_254 = arith.constant 8176 : index
      %swap3A_255 = tpu.vector_load %arg7[%swap3A_254] {strides = array<i32>} : memref<14336xf32, #tpu.memory_space<vmem>>, vector<16xf32>,
      %swap3A_256 = vector.shape_cast %swap3A_255 : vector<16xf32> to vector<16xf32>
      %swap3A_257 = vector.shape_cast %broadcast_in_dim3A_13 : vector<16xf32> to vector<16xf32>
      tpu.vector_store %arg7[%swap3A_254], %swap3A_257 {strides = array<i32>} : memref<14336xf32, #tpu.memory_space<vmem>>, vector<16xf32>,
      %swap3A_258 = arith.constant 9072 : index
      %swap3A_259 = tpu.vector_load %arg7[%swap3A_258] {strides = array<i32>} : memref<14336xf32, #tpu.memory_space<vmem>>, vector<16xf32>,
      %swap3A_260 = vector.shape_cast %swap3A_259 : vector<16xf32> to vector<16xf32>
      %swap3A_261 = vector.shape_cast %broadcast_in_dim3A_13 : vector<16xf32> to vector<16xf32>
      tpu.vector_store %arg7[%swap3A_258], %swap3A_261 {strides = array<i32>} : memref<14336xf32, #tpu.memory_space<vmem>>, vector<16xf32>,
      %swap3A_262 = arith.constant 9968 : index
      %swap3A_263 = tpu.vector_load %arg7[%swap3A_262] {strides = array<i32>} : memref<14336xf32, #tpu.memory_space<vmem>>, vector<16xf32>,
      %swap3A_264 = vector.shape_cast %swap3A_263 : vector<16xf32> to vector<16xf32>
      %swap3A_265 = vector.shape_cast %broadcast_in_dim3A_13 : vector<16xf32> to vector<16xf32>
      tpu.vector_store %arg7[%swap3A_262], %swap3A_265 {strides = array<i32>} : memref<14336xf32, #tpu.memory_space<vmem>>, vector<16xf32>,
      %swap3A_266 = arith.constant 10864 : index
      %swap3A_267 = tpu.vector_load %arg7[%swap3A_266] {strides = array<i32>} : memref<14336xf32, #tpu.memory_space<vmem>>, vector<16xf32>,
      %swap3A_268 = vector.shape_cast %swap3A_267 : vector<16xf32> to vector<16xf32>
      %swap3A_269 = vector.shape_cast %broadcast_in_dim3A_13 : vector<16xf32> to vector<16xf32>
      tpu.vector_store %arg7[%swap3A_266], %swap3A_269 {strides = array<i32>} : memref<14336xf32, #tpu.memory_space<vmem>>, vector<16xf32>,
      %swap3A_270 = arith.constant 11760 : index
      %swap3A_271 = tpu.vector_load %arg7[%swap3A_270] {strides = array<i32>} : memref<14336xf32, #tpu.memory_space<vmem>>, vector<16xf32>,
      %swap3A_272 = vector.shape_cast %swap3A_271 : vector<16xf32> to vector<16xf32>
      %swap3A_273 = vector.shape_cast %broadcast_in_dim3A_13 : vector<16xf32> to vector<16xf32>
      tpu.vector_store %arg7[%swap3A_270], %swap3A_273 {strides = array<i32>} : memref<14336xf32, #tpu.memory_space<vmem>>, vector<16xf32>,
      %swap3A_274 = arith.constant 12656 : index
      %swap3A_275 = tpu.vector_load %arg7[%swap3A_274] {strides = array<i32>} : memref<14336xf32, #tpu.memory_space<vmem>>, vector<16xf32>,
      %swap3A_276 = vector.shape_cast %swap3A_275 : vector<16xf32> to vector<16xf32>
      %swap3A_277 = vector.shape_cast %broadcast_in_dim3A_13 : vector<16xf32> to vector<16xf32>
      tpu.vector_store %arg7[%swap3A_274], %swap3A_277 {strides = array<i32>} : memref<14336xf32, #tpu.memory_space<vmem>>, vector<16xf32>,
      %swap3A_278 = arith.constant 13552 : index
      %swap3A_279 = tpu.vector_load %arg7[%swap3A_278] {strides = array<i32>} : memref<14336xf32, #tpu.memory_space<vmem>>, vector<16xf32>,
      %swap3A_280 = vector.shape_cast %swap3A_279 : vector<16xf32> to vector<16xf32>
      %swap3A_281 = vector.shape_cast %broadcast_in_dim3A_13 : vector<16xf32> to vector<16xf32>
      tpu.vector_store %arg7[%swap3A_278], %swap3A_281 {strides = array<i32>} : memref<14336xf32, #tpu.memory_space<vmem>>, vector<16xf32>,
    } else {
    }
    %eq3A_183 = arith.constant 31 : i32
    %eq3A_184 = arith.cmpi eq, %add3A, %eq3A_183 : i32
    %convert_element_type3A_185 = arith.extui %eq3A_184 : i1 to i32
    %cond3A_186 = arith.constant 0 : i32
    %cond3A_187 = arith.cmpi ne, %convert_element_type3A_185, %cond3A_186 : i32
    scf.if %cond3A_187 {
      %swap3A = arith.constant 7840 : index
      %swap3A_251 = tpu.vector_load %arg7[%swap3A] {strides = array<i32>} : memref<14336xf32, #tpu.memory_space<vmem>>, vector<16xf32>,
      %swap3A_252 = vector.shape_cast %swap3A_251 : vector<16xf32> to vector<16xf32>
      %swap3A_253 = vector.shape_cast %broadcast_in_dim3A_13 : vector<16xf32> to vector<16xf32>
      tpu.vector_store %arg7[%swap3A], %swap3A_253 {strides = array<i32>} : memref<14336xf32, #tpu.memory_space<vmem>>, vector<16xf32>,
      %swap3A_254 = arith.constant 8736 : index
      %swap3A_255 = tpu.vector_load %arg7[%swap3A_254] {strides = array<i32>} : memref<14336xf32, #tpu.memory_space<vmem>>, vector<16xf32>,
      %swap3A_256 = vector.shape_cast %swap3A_255 : vector<16xf32> to vector<16xf32>
      %swap3A_257 = vector.shape_cast %broadcast_in_dim3A_13 : vector<16xf32> to vector<16xf32>
      tpu.vector_store %arg7[%swap3A_254], %swap3A_257 {strides = array<i32>} : memref<14336xf32, #tpu.memory_space<vmem>>, vector<16xf32>,
      %swap3A_258 = arith.constant 9632 : index
      %swap3A_259 = tpu.vector_load %arg7[%swap3A_258] {strides = array<i32>} : memref<14336xf32, #tpu.memory_space<vmem>>, vector<16xf32>,
      %swap3A_260 = vector.shape_cast %swap3A_259 : vector<16xf32> to vector<16xf32>
      %swap3A_261 = vector.shape_cast %broadcast_in_dim3A_13 : vector<16xf32> to vector<16xf32>
      tpu.vector_store %arg7[%swap3A_258], %swap3A_261 {strides = array<i32>} : memref<14336xf32, #tpu.memory_space<vmem>>, vector<16xf32>,
      %swap3A_262 = arith.constant 10528 : index
      %swap3A_263 = tpu.vector_load %arg7[%swap3A_262] {strides = array<i32>} : memref<14336xf32, #tpu.memory_space<vmem>>, vector<16xf32>,
      %swap3A_264 = vector.shape_cast %swap3A_263 : vector<16xf32> to vector<16xf32>
      %swap3A_265 = vector.shape_cast %broadcast_in_dim3A_13 : vector<16xf32> to vector<16xf32>
      tpu.vector_store %arg7[%swap3A_262], %swap3A_265 {strides = array<i32>} : memref<14336xf32, #tpu.memory_space<vmem>>, vector<16xf32>,
      %swap3A_266 = arith.constant 11424 : index
      %swap3A_267 = tpu.vector_load %arg7[%swap3A_266] {strides = array<i32>} : memref<14336xf32, #tpu.memory_space<vmem>>, vector<16xf32>,
      %swap3A_268 = vector.shape_cast %swap3A_267 : vector<16xf32> to vector<16xf32>
      %swap3A_269 = vector.shape_cast %broadcast_in_dim3A_13 : vector<16xf32> to vector<16xf32>
      tpu.vector_store %arg7[%swap3A_266], %swap3A_269 {strides = array<i32>} : memref<14336xf32, #tpu.memory_space<vmem>>, vector<16xf32>,
      %swap3A_270 = arith.constant 12320 : index
      %swap3A_271 = tpu.vector_load %arg7[%swap3A_270] {strides = array<i32>} : memref<14336xf32, #tpu.memory_space<vmem>>, vector<16xf32>,
      %swap3A_272 = vector.shape_cast %swap3A_271 : vector<16xf32> to vector<16xf32>
      %swap3A_273 = vector.shape_cast %broadcast_in_dim3A_13 : vector<16xf32> to vector<16xf32>
      tpu.vector_store %arg7[%swap3A_270], %swap3A_273 {strides = array<i32>} : memref<14336xf32, #tpu.memory_space<vmem>>, vector<16xf32>,
      %swap3A_274 = arith.constant 13216 : index
      %swap3A_275 = tpu.vector_load %arg7[%swap3A_274] {strides = array<i32>} : memref<14336xf32, #tpu.memory_space<vmem>>, vector<16xf32>,
      %swap3A_276 = vector.shape_cast %swap3A_275 : vector<16xf32> to vector<16xf32>
      %swap3A_277 = vector.shape_cast %broadcast_in_dim3A_13 : vector<16xf32> to vector<16xf32>
      tpu.vector_store %arg7[%swap3A_274], %swap3A_277 {strides = array<i32>} : memref<14336xf32, #tpu.memory_space<vmem>>, vector<16xf32>,
      %swap3A_278 = arith.constant 14112 : index
      %swap3A_279 = tpu.vector_load %arg7[%swap3A_278] {strides = array<i32>} : memref<14336xf32, #tpu.memory_space<vmem>>, vector<16xf32>,
      %swap3A_280 = vector.shape_cast %swap3A_279 : vector<16xf32> to vector<16xf32>
      %swap3A_281 = vector.shape_cast %broadcast_in_dim3A_13 : vector<16xf32> to vector<16xf32>
      tpu.vector_store %arg7[%swap3A_278], %swap3A_281 {strides = array<i32>} : memref<14336xf32, #tpu.memory_space<vmem>>, vector<16xf32>,
    } else {
    }
    %parallel_loop3A_188 = arith.constant 0 : i32
    %parallel_loop3A_189 = arith.constant 320 : i32
    %parallel_loop3A_190 = arith.constant 1 : i32
    scf.for %parallel_loop3A_251 = %parallel_loop3A_188 to %parallel_loop3A_189 step %parallel_loop3A_190  : i32 {
      %parallel_loop3A_252 = arith.constant 40 : i32
      %parallel_loop3A_253 = arith.divsi %parallel_loop3A_251, %parallel_loop3A_252 : i32
      %parallel_loop3A_254 = arith.constant 0 : i32
      %parallel_loop3A_255 = arith.cmpi sgt, %parallel_loop3A_251, %parallel_loop3A_254 : i32
      %parallel_loop3A_256 = arith.extui %parallel_loop3A_255 : i1 to i32
      %parallel_loop3A_257 = arith.constant 0 : i32
      %parallel_loop3A_258 = arith.cmpi slt, %parallel_loop3A_251, %parallel_loop3A_257 : i32
      %parallel_loop3A_259 = arith.extui %parallel_loop3A_258 : i1 to i32
      %parallel_loop3A_260 = arith.subi %parallel_loop3A_256, %parallel_loop3A_259 : i32
      %parallel_loop3A_261 = arith.constant 0 : i32
      %parallel_loop3A_262 = arith.cmpi sgt, %parallel_loop3A_252, %parallel_loop3A_261 : i32
      %parallel_loop3A_263 = arith.extui %parallel_loop3A_262 : i1 to i32
      %parallel_loop3A_264 = arith.constant 0 : i32
      %parallel_loop3A_265 = arith.cmpi slt, %parallel_loop3A_252, %parallel_loop3A_264 : i32
      %parallel_loop3A_266 = arith.extui %parallel_loop3A_265 : i1 to i32
      %parallel_loop3A_267 = arith.subi %parallel_loop3A_263, %parallel_loop3A_266 : i32
      %parallel_loop3A_268 = arith.cmpi ne, %parallel_loop3A_260, %parallel_loop3A_267 : i32
      %parallel_loop3A_269 = arith.remsi %parallel_loop3A_251, %parallel_loop3A_252 : i32
      %parallel_loop3A_270 = arith.constant 0 : i32
      %parallel_loop3A_271 = arith.cmpi ne, %parallel_loop3A_269, %parallel_loop3A_270 : i32
      %parallel_loop3A_272 = arith.andi %parallel_loop3A_268, %parallel_loop3A_271 : i1
      %parallel_loop3A_273 = arith.constant 1 : i32
      %parallel_loop3A_274 = arith.subi %parallel_loop3A_253, %parallel_loop3A_273 : i32
      %parallel_loop3A_275 = arith.select %parallel_loop3A_272, %parallel_loop3A_274, %parallel_loop3A_253 : i32
      %parallel_loop3A_276 = arith.constant 40 : i32
      %parallel_loop3A_277 = arith.muli %parallel_loop3A_275, %parallel_loop3A_276 : i32
      %parallel_loop3A_278 = arith.subi %parallel_loop3A_251, %parallel_loop3A_277 : i32
      %parallel_loop3A_279 = arith.constant 8 : i32
      %parallel_loop3A_280 = arith.addi %parallel_loop3A_279, %parallel_loop3A_275 : i32
      %parallel_loop3A_281 = arith.constant 896 : i32
      %parallel_loop3A_282 = arith.muli %parallel_loop3A_280, %parallel_loop3A_281 : i32
      %parallel_loop3A_283 = arith.constant 128 : i32
      %parallel_loop3A_284 = arith.addi %parallel_loop3A_282, %parallel_loop3A_283 : i32
      %parallel_loop3A_285 = arith.constant 16 : i32
      %parallel_loop3A_286 = arith.muli %parallel_loop3A_278, %parallel_loop3A_285 : i32
      %parallel_loop3A_287 = arith.addi %parallel_loop3A_284, %parallel_loop3A_286 : i32
      %parallel_loop3A_288 = arith.index_cast %parallel_loop3A_287 : i32 to index
      %parallel_loop3A_289 = tpu.vector_load %arg7[%parallel_loop3A_288] {strides = array<i32>} : memref<14336xf32, #tpu.memory_space<vmem>>, vector<16xf32>,
      %parallel_loop3A_290 = vector.shape_cast %parallel_loop3A_289 : vector<16xf32> to vector<16xf32>
      %parallel_loop3A_291 = arith.constant 2 : i32
      %parallel_loop3A_292 = arith.subi %parallel_loop3A_287, %parallel_loop3A_291 : i32
      %parallel_loop3A_293 = arith.index_cast %parallel_loop3A_292 : i32 to index
      %parallel_loop3A_294 = tpu.vector_load %arg7[%parallel_loop3A_293] {strides = array<i32>} : memref<14336xf32, #tpu.memory_space<vmem>>, vector<16xf32>,
      %parallel_loop3A_295 = vector.shape_cast %parallel_loop3A_294 : vector<16xf32> to vector<16xf32>
      %parallel_loop3A_296 = arith.constant 1 : i32
      %parallel_loop3A_297 = arith.subi %parallel_loop3A_287, %parallel_loop3A_296 : i32
      %parallel_loop3A_298 = arith.index_cast %parallel_loop3A_297 : i32 to index
      %parallel_loop3A_299 = tpu.vector_load %arg7[%parallel_loop3A_298] {strides = array<i32>} : memref<14336xf32, #tpu.memory_space<vmem>>, vector<16xf32>,
      %parallel_loop3A_300 = vector.shape_cast %parallel_loop3A_299 : vector<16xf32> to vector<16xf32>
      %parallel_loop3A_301 = arith.maximumf %parallel_loop3A_295, %parallel_loop3A_300 : vector<16xf32>
      %parallel_loop3A_302 = arith.constant 1 : i32
      %parallel_loop3A_303 = arith.addi %parallel_loop3A_287, %parallel_loop3A_302 : i32
      %parallel_loop3A_304 = arith.index_cast %parallel_loop3A_303 : i32 to index
      %parallel_loop3A_305 = tpu.vector_load %arg7[%parallel_loop3A_304] {strides = array<i32>} : memref<14336xf32, #tpu.memory_space<vmem>>, vector<16xf32>,
      %parallel_loop3A_306 = vector.shape_cast %parallel_loop3A_305 : vector<16xf32> to vector<16xf32>
      %parallel_loop3A_307 = arith.constant 2 : i32
      %parallel_loop3A_308 = arith.addi %parallel_loop3A_287, %parallel_loop3A_307 : i32
      %parallel_loop3A_309 = arith.index_cast %parallel_loop3A_308 : i32 to index
      %parallel_loop3A_310 = tpu.vector_load %arg7[%parallel_loop3A_309] {strides = array<i32>} : memref<14336xf32, #tpu.memory_space<vmem>>, vector<16xf32>,
      %parallel_loop3A_311 = vector.shape_cast %parallel_loop3A_310 : vector<16xf32> to vector<16xf32>
      %parallel_loop3A_312 = arith.maximumf %parallel_loop3A_306, %parallel_loop3A_311 : vector<16xf32>
      %parallel_loop3A_313 = arith.maximumf %parallel_loop3A_301, %parallel_loop3A_312 : vector<16xf32>
      %parallel_loop3A_314 = arith.maximumf %parallel_loop3A_290, %parallel_loop3A_313 : vector<16xf32>
      %parallel_loop3A_315 = arith.constant 1.000000e+01 : f32
      %parallel_loop3A_316 = vector.broadcast %parallel_loop3A_315 : f32 to vector<16xf32>
      %parallel_loop3A_317 = arith.mulf %parallel_loop3A_316, %parallel_loop3A_290 : vector<16xf32>
      %parallel_loop3A_318 = arith.subf %mul3A_12, %parallel_loop3A_317 : vector<16xf32>
      %parallel_loop3A_319 = math.exp %parallel_loop3A_318 : vector<16xf32>
      %parallel_loop3A_320 = arith.constant 1.000000e+01 : f32
      %parallel_loop3A_321 = vector.broadcast %parallel_loop3A_320 : f32 to vector<16xf32>
      %parallel_loop3A_322 = arith.mulf %parallel_loop3A_321, %parallel_loop3A_314 : vector<16xf32>
      %parallel_loop3A_323 = arith.subf %parallel_loop3A_322, %parallel_loop3A_317 : vector<16xf32>
      %parallel_loop3A_324 = math.exp %parallel_loop3A_323 : vector<16xf32>
      %parallel_loop3A_325 = arith.constant 1.000000e+00 : f32
      %parallel_loop3A_326 = vector.broadcast %parallel_loop3A_325 : f32 to vector<16xf32>
      %parallel_loop3A_327 = arith.addf %parallel_loop3A_326, %parallel_loop3A_319 : vector<16xf32>
      %parallel_loop3A_328 = arith.constant 1.000000e+00 : f32
      %parallel_loop3A_329 = vector.broadcast %parallel_loop3A_328 : f32 to vector<16xf32>
      %parallel_loop3A_330 = arith.addf %parallel_loop3A_329, %parallel_loop3A_324 : vector<16xf32>
      %parallel_loop3A_331 = arith.mulf %parallel_loop3A_327, %parallel_loop3A_330 : vector<16xf32>
      %parallel_loop3A_332 = arith.divf %parallel_loop3A_290, %parallel_loop3A_331 : vector<16xf32>
      %parallel_loop3A_333 = arith.constant 16 : i32
      %parallel_loop3A_334 = arith.muli %parallel_loop3A_278, %parallel_loop3A_333 : i32
      %parallel_loop3A_335 = arith.constant 8 : i32
      %parallel_loop3A_336 = arith.addi %parallel_loop3A_335, %parallel_loop3A_275 : i32
      %parallel_loop3A_337 = arith.index_cast %parallel_loop3A_336 : i32 to index
      %parallel_loop3A_338 = arith.index_cast %parallel_loop3A_334 : i32 to index
      %parallel_loop3A_339 = tpu.vector_load %arg8[%parallel_loop3A_337, %parallel_loop3A_338] {strides = array<i32>} : memref<16x640xf32, #tpu.memory_space<vmem>>, vector<1x16xf32>,
      %parallel_loop3A_340 = vector.shape_cast %parallel_loop3A_339 : vector<1x16xf32> to vector<16xf32>
      %parallel_loop3A_341 = vector.shape_cast %parallel_loop3A_332 : vector<16xf32> to vector<1x16xf32>
      tpu.vector_store %arg8[%parallel_loop3A_337, %parallel_loop3A_338], %parallel_loop3A_341 {strides = array<i32>} : memref<16x640xf32, #tpu.memory_space<vmem>>, vector<1x16xf32>,
      %parallel_loop3A_342 = arith.cmpf oge, %parallel_loop3A_332, %div3A_9 : vector<16xf32>
      %parallel_loop3A_343 = arith.constant 0.000000e+00 : f32
      %parallel_loop3A_344 = vector.broadcast %parallel_loop3A_343 : f32 to vector<16xf32>
      %parallel_loop3A_345 = arith.select %parallel_loop3A_342, %parallel_loop3A_290, %parallel_loop3A_344 : vector<16xi1>, vector<16xf32>
      %parallel_loop3A_346 = arith.constant 8 : i32
      %parallel_loop3A_347 = arith.addi %parallel_loop3A_346, %parallel_loop3A_275 : i32
      %parallel_loop3A_348 = arith.index_cast %parallel_loop3A_347 : i32 to index
      %parallel_loop3A_349 = arith.index_cast %parallel_loop3A_334 : i32 to index
      %parallel_loop3A_350 = tpu.vector_load %arg9[%parallel_loop3A_348, %parallel_loop3A_349] {strides = array<i32>} : memref<16x640xf32, #tpu.memory_space<vmem>>, vector<1x16xf32>,
      %parallel_loop3A_351 = vector.shape_cast %parallel_loop3A_350 : vector<1x16xf32> to vector<16xf32>
      %parallel_loop3A_352 = vector.shape_cast %parallel_loop3A_345 : vector<16xf32> to vector<1x16xf32>
      tpu.vector_store %arg9[%parallel_loop3A_348, %parallel_loop3A_349], %parallel_loop3A_352 {strides = array<i32>} : memref<16x640xf32, #tpu.memory_space<vmem>>, vector<1x16xf32>,
    } {sc.loop_unroll_factor = 4 : i64, sc.parallel_access}
    %dma_start3A_191 = arith.constant 8 : i32
    %dma_start3A_192 = arith.constant 0 : i32
    %dma_start3A_193 = tpu.memref_slice %arg8[%dma_start3A_191, %dma_start3A_192] : memref<16x640xf32, #tpu.memory_space<vmem>> -> memref<8x640xf32, #tpu.memory_space<vmem>>
    %dma_start3A_194 = arith.constant 8 : i32
    %dma_start3A_195 = tpu.memref_slice %arg4[%dma_start3A_194, %multiple_of3A] : memref<16x20000xf32, #tpu.memory_space<hbm>> -> memref<8x640xf32, #tpu.memory_space<hbm>>
    %dma_start3A_196 = arith.constant 8 : i32
    %dma_start3A_197 = tpu.memref_slice %arg4[%dma_start3A_196, %multiple_of3A] : memref<16x20000xf32, #tpu.memory_space<hbm>> -> memref<8x640xf32, #tpu.memory_space<hbm>>
    %dma_start3A_198 = arith.constant 8 : i32
    %dma_start3A_199 = arith.constant 0 : i32
    %dma_start3A_200 = tpu.memref_slice %arg8[%dma_start3A_198, %dma_start3A_199] : memref<16x640xf32, #tpu.memory_space<vmem>> -> memref<8x640xf32, #tpu.memory_space<vmem>>
    tpu.enqueue_dma source(%dma_start3A_200 : memref<8x640xf32, #tpu.memory_space<vmem>>) target(%dma_start3A_197 : memref<8x640xf32, #tpu.memory_space<hbm>>) target_semaphore(%arg11 : memref<!tpu.dma_semaphore, #tpu.memory_space<semaphore_mem>>)
    %dma_start3A_201 = arith.constant 8 : i32
    %dma_start3A_202 = arith.constant 0 : i32
    %dma_start3A_203 = tpu.memref_slice %arg9[%dma_start3A_201, %dma_start3A_202] : memref<16x640xf32, #tpu.memory_space<vmem>> -> memref<8x640xf32, #tpu.memory_space<vmem>>
    %dma_start3A_204 = arith.constant 8 : i32
    %dma_start3A_205 = tpu.memref_slice %arg5[%dma_start3A_204, %multiple_of3A] : memref<16x20000xf32, #tpu.memory_space<hbm>> -> memref<8x640xf32, #tpu.memory_space<hbm>>
    %dma_start3A_206 = arith.constant 8 : i32
    %dma_start3A_207 = tpu.memref_slice %arg5[%dma_start3A_206, %multiple_of3A] : memref<16x20000xf32, #tpu.memory_space<hbm>> -> memref<8x640xf32, #tpu.memory_space<hbm>>
    %dma_start3A_208 = arith.constant 8 : i32
    %dma_start3A_209 = arith.constant 0 : i32
    %dma_start3A_210 = tpu.memref_slice %arg9[%dma_start3A_208, %dma_start3A_209] : memref<16x640xf32, #tpu.memory_space<vmem>> -> memref<8x640xf32, #tpu.memory_space<vmem>>
    tpu.enqueue_dma source(%dma_start3A_210 : memref<8x640xf32, #tpu.memory_space<vmem>>) target(%dma_start3A_207 : memref<8x640xf32, #tpu.memory_space<hbm>>) target_semaphore(%arg11 : memref<!tpu.dma_semaphore, #tpu.memory_space<semaphore_mem>>)
    %dma_wait3A_211 = arith.constant 0 : i32
    %dma_wait3A_212 = arith.constant 0 : i32
    %dma_wait3A_213 = tpu.memref_slice %arg8[%dma_wait3A_211, %dma_wait3A_212] : memref<16x640xf32, #tpu.memory_space<vmem>> -> memref<8x640xf32, #tpu.memory_space<vmem>>
    %dma_wait3A_214 = arith.constant 0 : i32
    %dma_wait3A_215 = tpu.memref_slice %arg4[%dma_wait3A_214, %multiple_of3A] : memref<16x20000xf32, #tpu.memory_space<hbm>> -> memref<8x640xf32, #tpu.memory_space<hbm>>
    %dma_wait3A_216 = arith.constant 0 : i32
    %dma_wait3A_217 = tpu.memref_slice %arg4[%dma_wait3A_216, %multiple_of3A] : memref<16x20000xf32, #tpu.memory_space<hbm>> -> memref<8x640xf32, #tpu.memory_space<hbm>>
    %dma_wait3A_218 = arith.constant 0 : i32
    %dma_wait3A_219 = arith.constant 0 : i32
    %dma_wait3A_220 = tpu.memref_slice %arg8[%dma_wait3A_218, %dma_wait3A_219] : memref<16x640xf32, #tpu.memory_space<vmem>> -> memref<8x640xf32, #tpu.memory_space<vmem>>
    tpu.wait_dma2 semaphore(%arg11 : memref<!tpu.dma_semaphore, #tpu.memory_space<semaphore_mem>>) src(%dma_wait3A_220 : memref<8x640xf32, #tpu.memory_space<vmem>>) dst(%dma_wait3A_217 : memref<8x640xf32, #tpu.memory_space<hbm>>)
    %dma_wait3A_221 = arith.constant 0 : i32
    %dma_wait3A_222 = arith.constant 0 : i32
    %dma_wait3A_223 = tpu.memref_slice %arg9[%dma_wait3A_221, %dma_wait3A_222] : memref<16x640xf32, #tpu.memory_space<vmem>> -> memref<8x640xf32, #tpu.memory_space<vmem>>
    %dma_wait3A_224 = arith.constant 0 : i32
    %dma_wait3A_225 = tpu.memref_slice %arg5[%dma_wait3A_224, %multiple_of3A] : memref<16x20000xf32, #tpu.memory_space<hbm>> -> memref<8x640xf32, #tpu.memory_space<hbm>>
    %dma_wait3A_226 = arith.constant 0 : i32
    %dma_wait3A_227 = tpu.memref_slice %arg5[%dma_wait3A_226, %multiple_of3A] : memref<16x20000xf32, #tpu.memory_space<hbm>> -> memref<8x640xf32, #tpu.memory_space<hbm>>
    %dma_wait3A_228 = arith.constant 0 : i32
    %dma_wait3A_229 = arith.constant 0 : i32
    %dma_wait3A_230 = tpu.memref_slice %arg9[%dma_wait3A_228, %dma_wait3A_229] : memref<16x640xf32, #tpu.memory_space<vmem>> -> memref<8x640xf32, #tpu.memory_space<vmem>>
    tpu.wait_dma2 semaphore(%arg11 : memref<!tpu.dma_semaphore, #tpu.memory_space<semaphore_mem>>) src(%dma_wait3A_230 : memref<8x640xf32, #tpu.memory_space<vmem>>) dst(%dma_wait3A_227 : memref<8x640xf32, #tpu.memory_space<hbm>>)
    %dma_wait3A_231 = arith.constant 8 : i32
    %dma_wait3A_232 = arith.constant 0 : i32
    %dma_wait3A_233 = tpu.memref_slice %arg8[%dma_wait3A_231, %dma_wait3A_232] : memref<16x640xf32, #tpu.memory_space<vmem>> -> memref<8x640xf32, #tpu.memory_space<vmem>>
    %dma_wait3A_234 = arith.constant 8 : i32
    %dma_wait3A_235 = tpu.memref_slice %arg4[%dma_wait3A_234, %multiple_of3A] : memref<16x20000xf32, #tpu.memory_space<hbm>> -> memref<8x640xf32, #tpu.memory_space<hbm>>
    %dma_wait3A_236 = arith.constant 8 : i32
    %dma_wait3A_237 = tpu.memref_slice %arg4[%dma_wait3A_236, %multiple_of3A] : memref<16x20000xf32, #tpu.memory_space<hbm>> -> memref<8x640xf32, #tpu.memory_space<hbm>>
    %dma_wait3A_238 = arith.constant 8 : i32
    %dma_wait3A_239 = arith.constant 0 : i32
    %dma_wait3A_240 = tpu.memref_slice %arg8[%dma_wait3A_238, %dma_wait3A_239] : memref<16x640xf32, #tpu.memory_space<vmem>> -> memref<8x640xf32, #tpu.memory_space<vmem>>
    tpu.wait_dma2 semaphore(%arg11 : memref<!tpu.dma_semaphore, #tpu.memory_space<semaphore_mem>>) src(%dma_wait3A_240 : memref<8x640xf32, #tpu.memory_space<vmem>>) dst(%dma_wait3A_237 : memref<8x640xf32, #tpu.memory_space<hbm>>)
    %dma_wait3A_241 = arith.constant 8 : i32
    %dma_wait3A_242 = arith.constant 0 : i32
    %dma_wait3A_243 = tpu.memref_slice %arg9[%dma_wait3A_241, %dma_wait3A_242] : memref<16x640xf32, #tpu.memory_space<vmem>> -> memref<8x640xf32, #tpu.memory_space<vmem>>
    %dma_wait3A_244 = arith.constant 8 : i32
    %dma_wait3A_245 = tpu.memref_slice %arg5[%dma_wait3A_244, %multiple_of3A] : memref<16x20000xf32, #tpu.memory_space<hbm>> -> memref<8x640xf32, #tpu.memory_space<hbm>>
    %dma_wait3A_246 = arith.constant 8 : i32
    %dma_wait3A_247 = tpu.memref_slice %arg5[%dma_wait3A_246, %multiple_of3A] : memref<16x20000xf32, #tpu.memory_space<hbm>> -> memref<8x640xf32, #tpu.memory_space<hbm>>
    %dma_wait3A_248 = arith.constant 8 : i32
    %dma_wait3A_249 = arith.constant 0 : i32
    %dma_wait3A_250 = tpu.memref_slice %arg9[%dma_wait3A_248, %dma_wait3A_249] : memref<16x640xf32, #tpu.memory_space<vmem>> -> memref<8x640xf32, #tpu.memory_space<vmem>>
    tpu.wait_dma2 semaphore(%arg11 : memref<!tpu.dma_semaphore, #tpu.memory_space<semaphore_mem>>) src(%dma_wait3A_250 : memref<8x640xf32, #tpu.memory_space<vmem>>) dst(%dma_wait3A_247 : memref<8x640xf32, #tpu.memory_space<hbm>>)
    return
  }
}

</mosaic_0001>

<sc_bundles>
// kernel: _run.3.cloned.1.call-start
scs
__scs_entry_jumppad:
0x0: {  	(pc) =	sbr.rel $0x88, $3  }
0x1: {  	(tag) =	ssettag $0x0;
	lr =	simm.s32 $0x1  }
0x2: {  	[smem:$0x3F9F] =	sst lr;
	_ =	strace $0xD0000000  }
0x3: {  	_ = 	snop  }
0x4: {  	_ = 	snop  }
0x5: {  	_ = 	snop  }
0x6: {  	_ = 	snop  }
0x7: {  	_ = 	snop  }
__scs_overlays_trampoline_lowered:
0x8: {  	[smem:$0x3FAE] =	sst s0  }
0x9: {  	[smem:$0x3FAF] =	sst s1  }
0xa: {  	[smem:$0x3FB0] =	sst s2  }
0xb: {  	[smem:$0x3FB1] =	sst s3  }
0xc: {  	[smem:$0x3FB2] =	sst s4  }
0xd: {  	[smem:$0x3FB3] =	sst s5  }
0xe: {  	[smem:$0x3FB4] =	sst s6  }
0xf: {  	[smem:$0x3FB5] =	sst s7  }
0x10: {  	[smem:$0x3FB6] =	sst s8  }
0x11: {  	[smem:$0x3FB7] =	sst s9;
	s0 =	simm.s32 @!p0 $0x0  }
0x12: {  	s1 =	sld [smem:$0x3F9D];
	s0 =	simm.s32 @p0 $0x1  }
0x13: {  	[smem:$0x3FB8] =	sst s0;
	s0 =	simm.s32 @!p1 $0x0  }
0x14: {  	s2 =	sld [smem:$0x3F9C];
	s0 =	simm.s32 @p1 $0x1  }
0x15: {  	[smem:$0x3FB9] =	sst s0;
	s0 =	simm.s32 @!p2 $0x0  }
0x16: {  	s3 =	sld [smem:$0x3FDB];
	s0 =	simm.s32 @p2 $0x1  }
0x17: {  	s4 =	simm.s32 $0x1BF5;
	[smem:$0x3FBB] =	sst s0  }
0x18: {  	s0 =	sld [smem:$0x3F9E];
	_ =	swait.ge [sflag:s4], $0x0  }
0x19: {  	s7 =	sld [smem:$0x3F9F]  }
0x1a: {  	s8 =	sadd.s32 $0xFFFFE003, lr  }
0x1b: {  	s9 =	sadd.s32 $0xFFFFFEF7, lr;
	s5 =	simm.s32 $0xFFFFFFFF;
	p2 =	slt.u32 s8, $0xFFFFF086  }
0x1c: {  	p1 =	slt.u32 s9, $0xF7A;
	s5 =	simm.s32 @!p2 $0x0  }
0x1d: {  	s5 =	simm.s32 @p1 $0x1;
	p0 =	seq.s32 s7, s2  }
0x1e: {  	s7 =	smul.u32 @!p0 $0xF7A, s2;
	p2 =	seq.s32 @!p0 s5, $0x0  }
0x1f: {  	s9 =	smul.u32 $0xF7A, s1;
	s8 =	simm.s32 @!p0 $0x1BF5;
	p2 =	por !p2, p0  }
0x20: {  	[sflag:s8] =	ssyncset.s32 @!p0 $0xFFFFF086;
	s6 =	sadd.s32 @!p0 s3, s7;
	s7 =	simm.s32 @!p0 $0x108  }
0x21: {  	s3 =	sadd.s32 s3, s9;
	s6 =	sadd.s32 @!p0 $0x88, s6;
	s7 =	simm.s32 @p2 $0x1082  }
0x22: {  	[simem:s7], [sflag:s8] =	dma.local @!p0 [hbm:s6], $0xF7A  }
0x23: {  	s9 =	sor.u32 $0xD0000000, s2;
	s6 =	simm.s32 $0x108;
	_ =	swait.ge @!p0 [sflag:s8], $0x0  }
0x24: {  	s3 =	sadd.s32 $0x88, s3;
	s6 =	simm.s32 @!p1 $0x1082;
	[sflag:s4] =	ssyncset.s32 $0xFFFFF086  }
0x25: {  	[simem:s6], [sflag:s4] =	dma.local [hbm:s3], $0xF7A  }
0x26: {  	[smem:$0x3F9F] =	sst s1;
	(tag) =	ssettag s2;
	_ =	strace s9  }
0x27: {  	s1 =	sld [smem:$0x3FAF]  }
0x28: {  	s2 =	sld [smem:$0x3FB0]  }
0x29: {  	s4 =	sld [smem:$0x3FB2]  }
0x2a: {  	p0 =	seq.s32 s5, $0x0;
	s5 =	sld [smem:$0x3FB3]  }
0x2b: {  	s6 =	sld [smem:$0x3FB4]  }
0x2c: {  	s7 =	sld [smem:$0x3FB5]  }
0x2d: {  	s3 =	simm.s32 $0x108;
	s8 =	sld [smem:$0x3FB6]  }
0x2e: {  	s3 =	simm.s32 @!p0 $0x1082;
	s9 =	sld [smem:$0x3FB7]  }
0x2f: {  	lr =	sadd.s32 s0, s3;
	s0 =	sld [smem:$0x3FAE]  }
0x30: {  	s3 =	sld [smem:$0x3FB1]  }
0x31: {  	[smem:$0x3FBA] =	sst s10  }
0x32: {  	s10 =	sld [smem:$0x3FB8];
	_ =	sdelay $0x3  }
0x33: {  	p0 =	seq.s32 s10, $0x1;
	s10 =	sld [smem:$0x3FBA];
	_ =	sdelay $0x3  }
0x34: {  	[smem:$0x3FBA] =	sst s10  }
0x35: {  	s10 =	sld [smem:$0x3FB9];
	_ =	sdelay $0x3  }
0x36: {  	p1 =	seq.s32 s10, $0x1;
	s10 =	sld [smem:$0x3FBA];
	_ =	sdelay $0x3  }
0x37: {  	[smem:$0x3FBA] =	sst s10  }
0x38: {  	s10 =	sld [smem:$0x3FBB]  }
0x39: {  	_ = 	snop;
	(pc) =	sbr.ind lr, $3  }
0x3a: {  	_ = 	snop  }
0x3b: {  	_ = 	snop  }
0x3c: {  	p2 =	seq.s32 s10, $0x1;
	s10 =	sld [smem:$0x3FBA]  }
0x3d: {  	_ =	shalt  }
0x3e: {  	_ =	shalt  }
0x3f: {  	_ =	shalt  }
0x40: {  	_ =	shalt  }
0x41: {  	_ =	shalt  }
0x42: {  	_ =	shalt  }
0x43: {  	_ =	shalt  }
0x44: {  	_ =	shalt  }
0x45: {  	_ =	shalt  }
0x46: {  	_ =	shalt  }
0x47: {  	_ =	shalt  }
0x48: {  	_ =	shalt  }
0x49: {  	_ =	shalt  }
0x4a: {  	_ =	shalt  }
0x4b: {  	_ =	shalt  }
0x4c: {  	_ =	shalt  }
0x4d: {  	_ =	shalt  }
0x4e: {  	_ =	shalt  }
0x4f: {  	_ =	shalt  }
0x50: {  	_ =	shalt  }
0x51: {  	_ =	shalt  }
0x52: {  	_ =	shalt  }
0x53: {  	_ =	shalt  }
0x54: {  	_ =	shalt  }
0x55: {  	_ =	shalt  }
0x56: {  	_ =	shalt  }
0x57: {  	_ =	shalt  }
0x58: {  	_ =	shalt  }
0x59: {  	_ =	shalt  }
0x5a: {  	_ =	shalt  }
0x5b: {  	_ =	shalt  }
0x5c: {  	_ =	shalt  }
0x5d: {  	_ =	shalt  }
0x5e: {  	_ =	shalt  }
0x5f: {  	_ =	shalt  }
0x60: {  	_ =	shalt  }
0x61: {  	_ =	shalt  }
0x62: {  	_ =	shalt  }
0x63: {  	_ =	shalt  }
0x64: {  	_ =	shalt  }
0x65: {  	_ =	shalt  }
0x66: {  	_ =	shalt  }
0x67: {  	_ =	shalt  }
0x68: {  	_ =	shalt  }
0x69: {  	_ =	shalt  }
0x6a: {  	_ =	shalt  }
0x6b: {  	_ =	shalt  }
0x6c: {  	_ =	shalt  }
0x6d: {  	_ =	shalt  }
0x6e: {  	_ =	shalt  }
0x6f: {  	_ =	shalt  }
0x70: {  	_ =	shalt  }
0x71: {  	_ =	shalt  }
0x72: {  	_ =	shalt  }
0x73: {  	_ =	shalt  }
0x74: {  	_ =	shalt  }
0x75: {  	_ =	shalt  }
0x76: {  	_ =	shalt  }
0x77: {  	_ =	shalt  }
0x78: {  	_ =	shalt  }
0x79: {  	_ =	shalt  }
0x7a: {  	_ =	shalt  }
0x7b: {  	_ =	shalt  }
0x7c: {  	_ =	shalt  }
0x7d: {  	_ =	shalt  }
0x7e: {  	_ =	shalt  }
0x7f: {  	_ =	shalt  }
0x80: {  	_ =	shalt  }
0x81: {  	_ =	shalt  }
0x82: {  	_ =	shalt  }
0x83: {  	_ =	shalt  }
0x84: {  	_ =	shalt  }
0x85: {  	_ =	shalt  }
0x86: {  	_ =	shalt  }
0x87: {  	_ =	shalt  }
.Lfunc_end0:
.L_simem_size_0:
called_computation_lowered:
.L_overlay_start_0:
0x88: {  	s2 =	sld [smem:$0x3FD9]  }
0x89: {  	s3 =	sld [smem:$0x3FFE];
	_ =	sdelay $0x1  }
0x8a: {  	s1 =	srdreg.scid  }
0x8b: {  	s0 =	sand.u32 $0x1, s1  }
0x8c: {  	s15 =	sshll.u32 s0, $0xA;
	s2 =	sadd.s32 s3, s2  }
0x8d: {  	s2 =	sadd.s32 s2, s15  }
0x8e: {  	[smem:$0x3FC6] =	sst s2  }
0x8f: {  	_ = 	snop  }
0x90: {  	s2 =	sld [smem:$0x3FD0];
	_ =	sdelay $0x1  }
0x91: {  	s16 =	sld [smem:$0x3FC9]  }
0x92: {  	s5 =	simm.s32 $0xA;
	s6 =	simm.s32 $0x10;
	s4 =	sld [smem:$0x3FC8]  }
0x93: {  	[smem:s6], [sflag:s5] =	dma.local [hbm:s2], $0x1  }
0x94: {  	_ =	swait.eq [sflag:s5], $0x1  }
0x95: {  	[sflag:s5] =	ssyncset.done $0x0  }
0x96: {  	s17 =	sld [smem:$0x10];
	[sflag:s5] =	ssyncadd.s32 $0xFFFFFFFF  }
0x97: {  	s18 =	sld [smem:$0x11];
	(tm) =	ssettm $0x1  }
0x98: {  	s19 =	sld [smem:$0x3FFB];
	_ =	sdelay $0x3  }
0x99: {  	_ =	strace s19  }
0x9a: {  	s6 =	sld [smem:$0x3FFC];
	_ =	sdelay $0x3  }
0x9b: {  	_ =	strace s6  }
0x9c: {  	s6 =	sld [smem:$0x3FFD];
	_ =	sdelay $0x3  }
0x9d: {  	_ =	strace s6  }
0x9e: {  	_ =	strace $0x8FFFFFFF  }
0x9f: {  	s20 =	sld [smem:$0x3FDB];
	_ =	sdelay $0x1  }
0xa0: {  	s7 =	simm.s32 $_scs_section_size  }
0xa1: {  	s8 =	simm.s32 $_size__tile_overlayer_lowered;
	s9 =	simm.s32 $_tile_overlayer_lowered  }
0xa2: {  	s23 =	simm.s32 $0x1BFF;
	s22 =	sshll.u32 s9, $0x1;
	s6 =	sadd.s32 s7, s20  }
0xa3: {  	s10 =	simm.s32 $0x0;
	s21 =	sshll.u32 s8, $0x1;
	s8 =	sadd.s32 s22, s6  }
0xa4: {  	[timem:s10], [sflag:s23] =	dma.local [hbm:s8], s21  }
0xa5: {  	_ =	swait.ge [sflag:s23], s21  }
0xa6: {  	s7 =	ssub.s32 $0x0, s21;
	[sflag:s23] =	ssyncset.done $0x0  }
0xa7: {  	[sflag:s23] =	ssyncadd.s32 s7;
	_ =	sdelay $0x1  }
0xa8: {  	s24 =	simm.s32 $0x1B8B  }
0xa9: {  	_ =	swait.ge [sflag:s24], $0x1  }
0xaa: {  	[sflag:s24] =	ssyncset.done $0x0  }
0xab: {  	s25 =	simm.s32 $0x1B8E;
	[sflag:s24] =	ssyncadd.s32 $0xFFFFFFFF  }
0xac: {  	s26 =	simm.s32 $execute0_lowered;
	[smem:$0x3FD2] =	sst s25  }
0xad: {  	s7 =	sshll.u32 s26, $0x1;
	_ =	strace $0x80000046;
	[dreg:$0x1] =	wrdreg $0xFFFFFFFF  }
0xae: {  	s28 =	simm.s32 $_size_execute0_lowered;
	s6 =	sadd.s32 s6, s7;
	[dreg:$0x0] =	wrdreg $0x0  }
0xaf: {  	s7 =	sshll.u32 s28, $0x1;
	[dreg:$0x2] =	wrdreg s6  }
0xb0: {  	[dreg:$0x3] =	wrdreg s7  }
0xb1: {  	[dreg:$0x4] =	wrdreg $0xC0  }
0xb2: {  	_ =	task [dreg:s10], $0x5FFFF  }
0xb3: {  	[dreg:$0x1] =	wrdreg $0xFFFFFFFF  }
0xb4: {  	[dreg:$0x0] =	wrdreg $0x60  }
0xb5: {  	[dreg:$0x2] =	wrdreg s16  }
0xb6: {  	[dreg:$0x3] =	wrdreg s4  }
0xb7: {  	[dreg:$0x4] =	wrdreg s17  }
0xb8: {  	[dreg:$0x5] =	wrdreg s18  }
0xb9: {  	[dreg:$0x6] =	wrdreg $0x9  }
0xba: {  	_ =	task.clear_ibuf [dreg:s10], $0x7FFFF;
	_ =	strace $0x90000046  }
0xbb: {  	s29 =	simm.s32 $0x9;
	_ =	strace $0x80000048  }
0xbc: {  	_ =	swait.ge [sflag:s29], $0x1  }
0xbd: {  	[sflag:s29] =	ssyncadd.s32 $0xFFFFFFFF  }
0xbe: {  	_ =	strace $0x90000048  }
0xbf: {  	_ =	sfence  }
0xc0: {  	s30 =	sld [smem:$0x0];
	_ =	sdelay $0x2  }
0xc1: {  	s31 =	sshll.u32 s1, $0xD;
	s1 =	sshrl.u32 s1, $0x2  }
0xc2: {  	s3 =	sand.u32 $0x4000, s31;
	s1 =	sadd.s32 s1, s30  }
0xc3: {  	s0 =	sor.u32 s3, s0;
	s1 =	sshll.u32 s1, $0x11  }
0xc4: {  	s0 =	sor.u32 s1, s0  }
0xc5: {  	s0 =	sadd.s32 $0x8F2B, s0  }
0xc6: {  	[sflag:s0] =	ssyncadd.remote.s32 $0x1  }
0xc7: {  	_ =	sfence.sel $0xFFFF  }
0xc8: {  	[dreg:$0x0] =	wrdreg $0xFFFFFFFF;
	(pc) =	sbr.abs _section_cstart, $3  }
0xc9: {  	[dreg:$0x1] =	wrdreg $0xFFFFFFFF  }
0xca: {  	_ =	task.clear_ibuf [dreg:s10], $0x2FFFF;
	_ =	strace $0x9FFFFFFF  }
0xcb: {  	(tm) =	ssettm $0x7FFFFFFF  }
tec
execute0_lowered:
.L_overlay_start_1:
0x0: {  	(tag) =	ssettag $0x1  }
0x1: {  	s0 =	rddreg [dreg:$0x0]  }
0x2: {  	s1 =	srdreg.scid;
	s2 =	stileid.u32  }
0x3: {  	s3 =	rddreg [dreg:$0x2];
	s1 =	sand.u32 $0x1, s1;
	s2 =	sshll.u32 s2, $0x1  }
0x4: {  	s4 =	rddreg [dreg:$0x3];
	s2 =	sor.u32 s1, s2;
	s1 =	ssub.s32 $0x2, s1  }
0x5: {  	s9 =	simm.s32 $0x0;
	s5 =	smul.u32 $0x280, s2;
	s8 =	sshrl.u32 s1, $0x1  }
0x6: {  	p1 =	por $0x0, $0x0;
	[smem:$0x7FF] =	sst s9;
	s1 =	ssub.s32 s1, s8  }
0x7: {  	_ =	strace $0x80000047;
	s6 =	smin.u32 s5, $0x4C00;
	s31 =	smax.u32 s1, $0x1  }
0x8: {  	s5 =	smin.u32 s5, $0x4B80;
	s22 =	sadd.s32 s0, s6;
	[smem:$0x7FD] =	sst s31  }
0x9: {  	s7 =	smax.u32 s6, $0x80;
	s26 =	sadd.s32 s3, s6;
	[dreg:$0x1a] =	wrdreg s22  }
0xa: {  	s5 =	sadd.s32 s5, s0;
	s28 =	sadd.s32 s4, s6;
	[dreg:$0x1f] =	wrdreg s26  }
0xb: {  	s24 =	sadd.s32 $0x4E80, s6;
	s23 =	sadd.s32 $0x280, s5;
	[smem:$0x7FA] =	sst s28  }
0xc: {  	s7 =	sadd.s32 s7, s0;
	s0 =	sadd.s32 s0, s24;
	[dreg:$0x1b] =	wrdreg s23  }
0xd: {  	p0 =	seq.s32 s2, $0x1F;
	s25 =	sadd.s32 $0x5100, s5;
	[dreg:$0x1d] =	wrdreg s0  }
0xe: {  	p4 =	sne.s32 s2, $0x0;
	s29 =	sadd.s32 s3, s24;
	[dreg:$0x1e] =	wrdreg s25  }
0xf: {  	p3 =	sne.s32 @!p0 s2, $0x0;
	s30 =	sadd.s32 s4, s24;
	[smem:$0x7FB] =	sst s29  }
0x10: {  	p2 =	por p3, p0;
	s21 =	sadd.s32 $0xFFFFFF80, s7;
	[smem:$0x7FC] =	sst s30  }
0x11: {  	p3 =	por !p3, p0;
	s7 =	sadd.s32 $0x4E00, s7;
	[dreg:$0x19] =	wrdreg s21  }
0x12: {  	s1 =	simm.s32 $0x0;
	s6 =	simm.s32 $0x1;
	[dreg:$0x1c] =	wrdreg s7  }
.LBB2_1:
0x13: {  	[smem:$0x7F9] =	sst s1  }
0x14: {  	s0 =	rddreg [dreg:$0x1];
	s2 =	simm.s32 $0xC000  }
0x15: {  	s3 =	simm.s32 $0x2;
	s7 =	simm.s32 $0x400;
	s10 =	simm.s32 $0x1800  }
0x16: {  	[tilespmem:s2], [sflag:$0x2] =	stream.linear.gather [hbm4b:s0+s9], $0x80, $0x38;
	[tilespmem:$0xC080] =	vst v63  }
0x17: {  	s12 =	simm.s32 $0x1C00;
	s1 =	simm.s32 $0x0;
	_ =	swait.ge [sflag:s3], $0x80  }
0x18: {  	s14 =	simm.s32 $0x2000;
	s2 =	sand.u32 $0xFFF8, s1;
	[sflag:s3] =	ssyncset.done $0x0  }
0x19: {  	s18 =	sshrl.u32 s2, $0x3;
	s4 =	rddreg [dreg:$0x19];
	[sflag:s3] =	ssyncadd.s32 $0xFFFFFF80  }
0x1a: {  	v0 =	vld [tilespmem:$0xC000];
	[tilespmem:s9], [sflag:$0x1] =	stream.linear.gather [hbm4b:s4+s9], $0x400, $0x38  }
0x1b: {  	s17 =	simm.s32 $0x0;
	s5 =	rddreg [dreg:$0x1a];
	s2 =	smul.u32 $0x2493, s18  }
0x1c: {  	[tilespmem:s7], [sflag:$0x1] =	stream.linear.gather [hbm4b:s5+s9], $0x1400, $0x38;
	[tilespmem:$0xC080] =	vst v63  }
0x1d: {  	s16 =	simm.s32 $0x3400;
	s8 =	rddreg [dreg:$0x1b];
	s3 =	smulhi.u32 $0x24924925, s17  }
0x1e: {  	[tilespmem:s10], [sflag:$0x1] =	stream.linear.gather [hbm4b:s8+s9], $0x400, $0x38;
	[tilespmem:$0xC080] =	vst v63  }
0x1f: {  	s11 =	rddreg [dreg:$0x1c];
	s20 =	sshrl.u32 s2, $0x13;
	s4 =	smul.u32 $0xFFFFE400, s3  }
0x20: {  	[tilespmem:s12], [sflag:$0x1] =	stream.linear.gather [hbm4b:s11+s9], $0x400, $0x38;
	[tilespmem:$0xC080] =	vst v63  }
0x21: {  	s19 =	simm.s32 $0x0;
	s13 =	rddreg [dreg:$0x1d];
	s21 =	smul.u32 $0x7000, s20  }
0x22: {  	[tilespmem:s14], [sflag:$0x1] =	stream.linear.gather [hbm4b:s13+s9], $0x1400, $0x38;
	[tilespmem:$0xC080] =	vst v63  }
0x23: {  	s0 =	simm.s32 $0x3840;
	s15 =	rddreg [dreg:$0x1e];
	s23 =	smul.u32 $0x6E00, s3  }
0x24: {  	[tilespmem:s16], [sflag:$0x1] =	stream.linear.gather [hbm4b:s15+s9], $0x400, $0x38;
	[tilespmem:$0xC080] =	vst v63  }
0x25: {  	s2 =	sshrl.u32 s2, $0x9;
	s5 =	smulhi.u32 $0x24924925, s19;
	_ =	swait.ge [sflag:s6], $0x400  }
0x26: {  	s3 =	sand.u32 $0x380, s2;
	s4 =	sadd.s32 $0x0, s4;
	[sflag:s6] =	ssyncset.done $0x0  }
0x27: {  	s5 =	smul.u32 $0x7000, s5;
	s7 =	sadd.s32 $0x80, s4;
	[sflag:s6] =	ssyncadd.s32 $0xFFFFFC00  }
0x28: {  	s8 =	sadd.s32 $0x380, s4;
	s10 =	sshrl.u32 s21, $0x2;
	_ =	swait.ge [sflag:s6], $0x1400  }
0x29: {  	s25 =	sadd.s32 $0x100, s4;
	s26 =	sadd.s32 $0x180, s4;
	[sflag:s6] =	ssyncset.done $0x0  }
0x2a: {  	s22 =	sand.u32 $0xFFFFFC00, s8;
	s7 =	sand.u32 $0xFFFFFC00, s7;
	[sflag:s6] =	ssyncadd.s32 $0xFFFFEC00  }
0x2b: {  	s28 =	sand.u32 $0xFFFFFC00, s26;
	s24 =	sadd.s32 s22, s10;
	_ =	swait.ge [sflag:s6], $0x400  }
0x2c: {  	s11 =	sadd.s32 $0x200, s4;
	s12 =	sadd.s32 $0x280, s4;
	[sflag:s6] =	ssyncset.done $0x0  }
0x2d: {  	s4 =	sadd.s32 $0x300, s4;
	s2 =	sor.u32 s3, s24;
	[sflag:s6] =	ssyncadd.s32 $0xFFFFFC00  }
0x2e: {  	s5 =	ssub.s32 s5, s23;
	s31 =	sadd.s32 s7, s10;
	s29 =	sand.u32 $0xFFFFFC00, s11;
	v1 =	vld [tilespmem:s2+$0x70]  }
0x2f: {  	s30 =	sand.u32 $0xFFFFFC00, s12;
	s4 =	sand.u32 $0xFFFFFC00, s4;
	s12 =	sor.u32 s3, s31  }
0x30: {  	s8 =	sadd.s32 s30, s10;
	s7 =	sadd.s32 s4, s10;
	s6 =	sand.u32 $0xFFFFFC00, s25  }
0x31: {  	s4 =	simm.s32 $0x0;
	s9 =	sadd.s32 s29, s10;
	s13 =	sadd.s32 s6, s10  }
0x32: {  	s2 =	sadd.s32 s28, s10;
	s6 =	sshra.s32 s5, $0x2;
	s5 =	simm.s32 $0x0  }
0x33: {  	s11 =	sor.u32 s3, s13;
	s10 =	sor.u32 s3, s2;
	s2 =	simm.s32 $0x0;
	[tilespmem:s0+$0x30] =	vst v1  }
.LBB2_2:
0x34: {  	s1 =	sadd.s32 $0x8, s1;
	s4 =	sadd.s32 $0x8, s4  }
0x35: {  	v1 =	vld [tilespmem:s12+$0x10];
	s9 =	sor.u32 s3, s9;
	s12 =	sshrl.u32 s4, $0x3;
	s14 =	sand.u32 $0xFFF8, s1  }
0x36: {  	s13 =	sshrl.u32 s4, $0x6;
	v2 =	vld [tilespmem:s11+$0x20];
	s11 =	smulhi.u32 $0x24924925, s12;
	s12 =	sshrl.u32 s14, $0x3  }
0x37: {  	s8 =	sor.u32 s3, s8;
	v3 =	vld [tilespmem:s10+$0x30];
	s10 =	smul.u32 $0x2493, s12  }
0x38: {  	s6 =	sadd.s32 s6, s2;
	s3 =	sor.u32 s3, s7;
	v4 =	vld [tilespmem:s9+$0x40];
	s7 =	smul.u32 $0xFFFFE400, s11  }
0x39: {  	p5 =	slt.u32 s1, $0x1B8;
	v5 =	vld [tilespmem:s8+$0x50];
	s8 =	smulhi.u32 $0x24924925, s13  }
0x3a: {  	s5 =	sadd.s32 $0x400, s5;
	s11 =	smul.u32 $0x6E00, s11;
	s9 =	sshrl.u32 s10, $0x13;
	[tilespmem:s0+$0xFFFFFFD0] =	vst v1;
	v1 =	vld [tilespmem:s3+$0x60]  }
0x3b: {  	s2 =	sadd.s32 $0x400, s2;
	s3 =	smul.u32 $0x7000, s9;
	s7 =	sadd.s32 s7, s5;
	v6 =	vld [tilespmem:s6+$0x0];
	[tilespmem:s0+$0xFFFFFFE0] =	vst v2  }
0x3c: {  	s6 =	smul.u32 $0x7000, s8;
	s8 =	sadd.s32 $0x80, s7;
	s9 =	sadd.s32 $0x380, s7;
	[tilespmem:s0+$0xFFFFFFF0] =	vst v3  }
0x3d: {  	s10 =	sshrl.u32 s10, $0x9;
	s12 =	sshrl.u32 s3, $0x2;
	s9 =	sand.u32 $0xFFFFFC00, s9;
	[tilespmem:s0+$0x0] =	vst v4  }
0x3e: {  	s13 =	sadd.s32 $0x180, s7;
	s3 =	sand.u32 $0x380, s10;
	s9 =	sadd.s32 s9, s12;
	[tilespmem:s0+$0x10] =	vst v5  }
0x3f: {  	s14 =	sadd.s32 $0x200, s7;
	s10 =	sadd.s32 $0x100, s7;
	s9 =	sor.u32 s3, s9;
	[tilespmem:s0+$0x20] =	vst v1  }
0x40: {  	s15 =	sadd.s32 $0x280, s7;
	s7 =	sadd.s32 $0x300, s7;
	s8 =	sand.u32 $0xFFFFFC00, s8;
	v1 =	vld [tilespmem:s9+$0x70];
	[tilespmem:s0+$0xFFFFFFC0] =	vst v6  }
0x41: {  	s7 =	sand.u32 $0xFFFFFC00, s7;
	s9 =	sand.u32 $0xFFFFFC00, s10;
	s10 =	sand.u32 $0xFFFFFC00, s13  }
.Ltmp0:
0x42: {  	s13 =	sand.u32 $0xFFFFFC00, s14;
	s14 =	sand.u32 $0xFFFFFC00, s15;
	(pc) =	sbr.rel @p5 .LBB2_2-.Ltmp0, $4  }
0x43: {  	s6 =	ssub.s32 s6, s11;
	s11 =	sadd.s32 s8, s12;
	s15 =	sadd.s32 s9, s12  }
0x44: {  	s0 =	sadd.s32 $0x80, s0;
	s10 =	sadd.s32 s10, s12;
	s9 =	sadd.s32 s13, s12  }
0x45: {  	s6 =	sshra.s32 s6, $0x2;
	s7 =	sadd.s32 s7, s12;
	s8 =	sadd.s32 s14, s12;
	[tilespmem:s0+$0x30] =	vst v1  }
0x46: {  	s12 =	sor.u32 s3, s11;
	s11 =	sor.u32 s3, s15;
	s10 =	sor.u32 s3, s10  }
0x47: {  	v1 =	vld [tilespmem:s12+$0x10]  }
0x48: {  	v2 =	vld [tilespmem:s11+$0x20]  }
0x49: {  	s1 =	sor.u32 s3, s9;
	v3 =	vld [tilespmem:s10+$0x30]  }
0x4a: {  	s4 =	sor.u32 s3, s8;
	v4 =	vld [tilespmem:s1+$0x40]  }
0x4b: {  	s2 =	sadd.s32 s6, s2;
	v5 =	vld [tilespmem:s4+$0x50]  }
0x4c: {  	s11 =	sor.u32 s3, s7;
	v6 =	vld [tilespmem:s2+$0x0];
	[tilespmem:s0+$0xFFFFFFD0] =	vst v1  }
0x4d: {  	v1 =	vld [tilespmem:s11+$0x60];
	[tilespmem:s0+$0xFFFFFFE0] =	vst v2  }
0x4e: {  	[tilespmem:s0+$0xFFFFFFF0] =	vst v3  }
0x4f: {  	[tilespmem:s0+$0x0] =	vst v4  }
0x50: {  	[tilespmem:s0+$0x10] =	vst v5  }
0x51: {  	[tilespmem:s0+$0xFFFFFFC0] =	vst v6  }
0x52: {  	[tilespmem:s0+$0x20] =	vst v1;
	v1 =	vimm.f32 @p0 $-Inf  }
0x53: {  	[tilespmem:$0x3AA0] =	vst @p0 v1  }
0x54: {  	[tilespmem:$0x3E20] =	vst @p0 v1  }
0x55: {  	[tilespmem:$0x41A0] =	vst @p0 v1  }
0x56: {  	[tilespmem:$0x4520] =	vst @p0 v1  }
0x57: {  	[tilespmem:$0x48A0] =	vst @p0 v1  }
0x58: {  	[tilespmem:$0x4C20] =	vst @p0 v1  }
0x59: {  	[tilespmem:$0x4FA0] =	vst @p0 v1  }
0x5a: {  	v0 =	vsub.f32 $0.0e+00, v0;
	[tilespmem:$0x5320] =	vst @p0 v1;
	v1 =	vimm.f32 @!p2 $-Inf  }
0x5b: {  	[tilespmem:$0x3870] =	vst @!p2 v1  }
0x5c: {  	s12 =	simm.s32 $0x0;
	v0 =	vmul.f32 $1.442695020e+00, v0;
	[tilespmem:$0x3BF0] =	vst @!p2 v1  }
0x5d: {  	s0 =	smulhi.u32 $0xCCCCCCCD, s12;
	[tilespmem:$0x3F70] =	vst @!p2 v1  }
0x5e: {  	(erf) = vpow2.f32 v0;
	[tilespmem:$0x42F0] =	vst @!p2 v1  }
0x5f: {  	s0 =	sshrl.u32 s0, $0x5;
	[tilespmem:$0x4670] =	vst @!p2 v1  }
0x60: {  	[tilespmem:$0x49F0] =	vst @!p2 v1;
	s14 =	sshll.u32 s0, $0x8  }
0x61: {  	[tilespmem:$0x4D70] =	vst @!p2 v1;
	s2 =	sand.u32 $0x3FFFFF00, s14  }
0x62: {  	[tilespmem:$0x50F0] =	vst @!p2 v1;
	s20 =	sadd.s32 $0x3800, s2  }
0x63: {  	v3 =	vld [tilespmem:s20+$0xAF]  }
0x64: {  	v8 =	vld [tilespmem:s20+$0x7F]  }
0x65: {  	v10 =	vld [tilespmem:s20+$0xAE]  }
0x66: {  	s13 =	smul.u32 $0xFFFFFD80, s0;
	v11 =	vld [tilespmem:s20+$0x8F]  }
0x67: {  	v0 =	vpop (erf);
	s15 =	sadd.s32 $0x0, s14;
	v13 =	vld [tilespmem:s20+$0x9F]  }
0x68: {  	v0 =	vadd.f32 $1.000000000e+00, v0;
	s1 =	sadd.s32 $0x0, s13;
	s22 =	sadd.s32 $0x80, s15;
	v17 =	vld [tilespmem:s20+$0x7E]  }
0x69: {  	s21 =	sand.u32 $0x40, s1;
	s2 =	sand.u32 $0xFFFFFF80, s22;
	v19 =	vld [tilespmem:s20+$0x8E]  }
0x6a: {  	s24 =	simm.s32 $0x4;
	s16 =	sadd.s32 $0x90, s15;
	(erf) = vrcp.f32 v0;
	v20 =	vld [tilespmem:s20+$0x9E];
	s2 =	sor.u32 s21, s2  }
0x6b: {  	s19 =	sadd.s32 $0xB0, s15;
	s5 =	sadd.s32 $0x10, s1;
	s17 =	sand.u32 $0xFFFFFF80, s16;
	v5 =	vld [tilespmem:s2+$0x3800]  }
0x6c: {  	s18 =	sadd.s32 $0x30, s1;
	s7 =	sand.u32 $0xFFFFFF80, s19;
	s4 =	sand.u32 $0x50, s5;
	v9 =	vld [tilespmem:s2+$0x3802]  }
0x6d: {  	s1 =	sadd.s32 $0x20, s1;
	s5 =	sand.u32 $0x70, s18;
	s6 =	sor.u32 s4, s17;
	v16 =	vld [tilespmem:s2+$0x3801]  }
0x6e: {  	s23 =	sor.u32 s5, s7;
	s7 =	sand.u32 $0x60, s1;
	s1 =	smulhi.u32 $0xCCCCCCCD, s24;
	v2 =	vld [tilespmem:s6+$0x3800]  }
0x6f: {  	v7 =	vld [tilespmem:s6+$0x3801]  }
0x70: {  	v4 =	vld [tilespmem:s23+$0x3800];
	s25 =	sshrl.u32 s1, $0x5  }
0x71: {  	s3 =	sadd.s32 $0xA0, s15;
	v12 =	vld [tilespmem:s23+$0x3802];
	s1 =	smul.u32 $0xFFFFFD80, s25  }
0x72: {  	s3 =	sand.u32 $0xFFFFFF80, s3;
	v14 =	vld [tilespmem:s6+$0x3802];
	s26 =	sshll.u32 s25, $0x8  }
0x73: {  	s3 =	sor.u32 s7, s3;
	v22 =	vld [tilespmem:s23+$0x3801];
	s28 =	sadd.s32 $0x40, s26;
	s29 =	sadd.s32 $0x40, s1;
	v0 =	vpop (erf)  }
0x74: {  	v15 =	vld [tilespmem:s3+$0x3802];
	s30 =	sadd.s32 $0x90, s28;
	v18 =	vmul.f32 $1.000000000e+01, v2;
	s31 =	sadd.s32 $0x10, s29;
	v1 =	vmul.f32 $1.000000000e+01, v0  }
0x75: {  	v6 =	vld [tilespmem:s3+$0x3800];
	s1 =	sand.u32 $0xFFFFFF80, s30;
	s8 =	sand.u32 $0x50, s31  }
0x76: {  	v23 =	vld [tilespmem:s3+$0x3801];
	s11 =	sand.u32 $0x3FFFFF00, s26;
	[dreg:$0x13] =	wrdreg s8;
	s8 =	sor.u32 s8, s1;
	v21 =	vsub.f32 v1, v18  }
0x77: {  	v10 =	vmax.f32 v10, v3;
	v8 =	vmax.f32 v17, v8;
	s1 =	sadd.s32 $0x3840, s11;
	v3 =	vld [tilespmem:s8+$0x3800]  }
0x78: {  	v11 =	vmax.f32 v19, v11;
	v24 =	vmul.f32 $1.000000000e+01, v5;
	s12 =	sadd.s32 $0x30, s29;
	v26 =	vld [tilespmem:s1+$0xAF];
	v21 =	vmul.f32 $1.442695020e+00, v21  }
0x79: {  	s13 =	sadd.s32 $0xB0, s28;
	v9 =	vmax.f32 v16, v9;
	s14 =	sadd.s32 $0x80, s28;
	v7 =	vmax.f32 v7, v14;
	v14 =	vmul.f32 $1.000000000e+01, v4;
	s3 =	sand.u32 $0x70, s12;
	v19 =	vld [tilespmem:s1+$0x7F]  }
0x7a: {  	s9 =	sand.u32 $0xFFFFFF80, s13;
	s15 =	sand.u32 $0x40, s29;
	v25 =	vmul.f32 $1.000000000e+01, v6;
	v16 =	vsub.f32 v1, v24;
	(erf) = vpow2.f32 v21;
	v21 =	vld [tilespmem:s8+$0x3801];
	[dreg:$0x14] =	wrdreg s3  }
0x7b: {  	v13 =	vmax.f32 v20, v13;
	v9 =	vmax.f32 v8, v9;
	s11 =	sand.u32 $0xFFFFFF80, s14;
	v17 =	vsub.f32 v1, v14;
	s3 =	sor.u32 s3, s9;
	[dreg:$0x7] =	wrdreg s15  }
0x7c: {  	v12 =	vmax.f32 v22, v12;
	s11 =	sor.u32 s15, s11;
	v27 =	vsub.f32 v1, v25;
	v16 =	vmul.f32 $1.442695020e+00, v16;
	v8 =	vld [tilespmem:s3+$0x3800]  }
0x7d: {  	v11 =	vmax.f32 v11, v7;
	v9 =	vmax.f32 v5, v9;
	v17 =	vmul.f32 $1.442695020e+00, v17;
	v7 =	vld [tilespmem:s11+$0x3800]  }
0x7e: {  	s17 =	smul.u32 $0x1400, s0;
	s23 =	simm.s32 $0x8;
	v15 =	vmax.f32 v23, v15;
	(erf) = vpow2.f32 v16;
	v16 =	vmul.f32 $1.442695020e+00, v27;
	v20 =	vld [tilespmem:s11+$0x3802]  }
0x7f: {  	s2 =	smulhi.u32 $0xCCCCCCCD, s23;
	v10 =	vmax.f32 v10, v12;
	v9 =	vmul.f32 $1.000000000e+01, v9;
	v12 =	vld [tilespmem:s1+$0x8F];
	(erf) = vpow2.f32 v17  }
0x80: {  	p6 =	por @!p2 $0x0, $0x0;
	s16 =	simm.s32 $0x0;
	s20 =	smul.u32 $0x1400, s25;
	v13 =	vmax.f32 v13, v15;
	v10 =	vmax.f32 v4, v10;
	v23 =	vld [tilespmem:s8+$0x3802];
	(erf) = vpow2.f32 v16  }
0x81: {  	p5 =	por @p0 $0x1, $0x1;
	p6 =	por @!p3 p1, p1;
	v11 =	vmax.f32 v2, v11;
	v13 =	vmax.f32 v6, v13;
	v10 =	vmul.f32 $1.000000000e+01, v10;
	s9 =	smul.u32 $0xCCCD, s16;
	v27 =	vld [tilespmem:s1+$0x7E]  }
0x82: {  	s6 =	sadd.s32 $0xA0, s28;
	s10 =	sadd.s32 $0x20, s29;
	s13 =	simm.s32 $0x4;
	v11 =	vmul.f32 $1.000000000e+01, v11;
	v9 =	vsub.f32 v9, v24;
	v15 =	vmul.f32 $1.000000000e+01, v13;
	v30 =	vld [tilespmem:s1+$0x8E]  }
0x83: {  	s14 =	sand.u32 $0xFFFFFF80, s6;
	s6 =	smul.u32 $0xCCCD, s13;
	v10 =	vsub.f32 v10, v14;
	s18 =	sshrl.u32 s9, $0x18;
	v17 =	vld [tilespmem:s1+$0xAE]  }
0x84: {  	s22 =	sand.u32 $0x60, s10;
	s12 =	ssub.s32 $0x0, s17;
	v11 =	vsub.f32 v11, v18;
	v15 =	vsub.f32 v15, v25;
	v9 =	vmul.f32 $1.442695020e+00, v9;
	s0 =	smul.u32 $0x1400, s18;
	v16 =	vld [tilespmem:s3+$0x3802]  }
0x85: {  	s19 =	sand.u32 $0xFFFFFC00, s12;
	s24 =	sadd.s32 $0x100, s12;
	v10 =	vmul.f32 $1.442695020e+00, v10;
	v13 =	vmul.f32 $1.000000000e+01, v3;
	s9 =	sshrl.u32 s9, $0xE;
	v21 =	vmax.f32 v21, v23;
	v23 =	vld [tilespmem:s3+$0x3801]  }
0x86: {  	s28 =	sadd.s32 $0x180, s12;
	v11 =	vmul.f32 $1.442695020e+00, v11;
	v29 =	vmul.f32 $1.442695020e+00, v15;
	v18 =	vld [tilespmem:s11+$0x3801];
	s9 =	sand.u32 $0x380, s9;
	s8 =	sadd.s32 s0, s19;
	v24 =	vpop (erf)  }
0x87: {  	s14 =	sor.u32 s22, s14;
	v22 =	vld [tilespmem:s1+$0x9F];
	v25 =	vsub.f32 v1, v13;
	(erf) = vpow2.f32 v9;
	s25 =	sor.u32 s9, s8;
	s8 =	sshrl.u32 s2, $0x5;
	v12 =	vmax.f32 v30, v12;
	v28 =	vpop (erf)  }
0x88: {  	s30 =	sand.u32 $0xFFFFFC00, s28;
	s16 =	sadd.s32 $0x80, s12;
	v14 =	vld [tilespmem:s14+$0x3802];
	v19 =	vmax.f32 v27, v19;
	s29 =	smul.u32 $0xFFFFFD80, s8;
	v26 =	vmax.f32 v17, v26;
	v12 =	vmax.f32 v12, v21;
	v9 =	vpop (erf)  }
0x89: {  	s11 =	sand.u32 $0xFFFFFC00, s24;
	s31 =	sand.u32 $0xFFFFFC00, s16;
	s17 =	sshll.u32 s8, $0x8;
	(erf) = vpow2.f32 v11;
	v11 =	vmul.f32 $1.442695020e+00, v25;
	v25 =	vld [tilespmem:s1+$0x9E];
	v31 =	vadd.f32 $1.000000000e+00, v9;
	v9 =	vpop (erf)  }
0x8a: {  	s26 =	sadd.s32 s0, s11;
	s3 =	sadd.s32 $0x80, s17;
	s13 =	sadd.s32 $0x80, s29;
	v15 =	vadd.f32 $1.000000000e+00, v28;
	v16 =	vmax.f32 v23, v16;
	v17 =	vadd.f32 $1.000000000e+00, v9;
	v9 =	vld [tilespmem:s14+$0x3800]  }
0x8b: {  	s2 =	sadd.s32 s0, s30;
	s16 =	sadd.s32 $0x90, s3;
	s18 =	sadd.s32 $0x10, s13;
	(erf) = vpow2.f32 v11;
	v11 =	vmax.f32 v18, v20;
	v18 =	vld [tilespmem:s14+$0x3801];
	v20 =	vmul.f32 $1.000000000e+01, v7  }
0x8c: {  	s24 =	sand.u32 $0x3FFFFF00, s17;
	s11 =	sand.u32 $0xFFFFFF80, s16;
	v28 =	vmul.f32 $1.000000000e+01, v8;
	v16 =	vmax.f32 v26, v16;
	s14 =	sand.u32 $0x50, s18;
	(erf) = vpow2.f32 v29  }
0x8d: {  	s1 =	sadd.s32 s0, s31;
	[dreg:$0x8] =	wrdreg s14;
	s11 =	sor.u32 s14, s11;
	(erf) = vpow2.f32 v10;
	v10 =	vmax.f32 v19, v11;
	v11 =	vsub.f32 v1, v20  }
0x8e: {  	v24 =	vadd.f32 $1.000000000e+00, v24;
	s0 =	sor.u32 s9, s2;
	s2 =	sor.u32 s9, s1;
	s1 =	sadd.s32 $0x3880, s24;
	v16 =	vmax.f32 v8, v16;
	v30 =	vld [tilespmem:s11+$0x3801];
	v19 =	vmax.f32 v25, v22  }
0x8f: {  	p5 =	por @!p0 p6, p6;
	s10 =	ssub.s32 $0x200, s20;
	s15 =	sshrl.u32 s6, $0x18;
	v26 =	vld [tilespmem:s1+$0xAF];
	v22 =	vsub.f32 v1, v28;
	v11 =	vmul.f32 $1.442695020e+00, v11;
	v23 =	vmul.f32 $1.000000000e+01, v9  }
0x90: {  	s12 =	sor.u32 s9, s26;
	s26 =	sadd.s32 $0x80, s3;
	s18 =	sand.u32 $0x40, s13;
	v29 =	vmax.f32 v3, v12;
	v21 =	vmax.f32 v7, v10;
	v10 =	vld [tilespmem:s11+$0x3800];
	v14 =	vmax.f32 v18, v14  }
0x91: {  	s6 =	sshrl.u32 s6, $0xE;
	s14 =	sand.u32 $0xFFFFFF80, s26;
	v18 =	vld [tilespmem:s1+$0x7F];
	[dreg:$0x9] =	wrdreg s18;
	(erf) = vpow2.f32 v11;
	v11 =	vmul.f32 $1.442695020e+00, v22;
	v22 =	vsub.f32 v1, v23  }
0x92: {  	s23 =	sadd.s32 $0x100, s10;
	s6 =	sand.u32 $0x380, s6;
	v16 =	vmul.f32 $1.000000000e+01, v16;
	v25 =	vpop (erf);
	v21 =	vmul.f32 $1.000000000e+01, v21;
	s18 =	sor.u32 s18, s14;
	v14 =	vmax.f32 v19, v14;
	v35 =	vld [tilespmem:s11+$0x3802]  }
0x93: {  	s19 =	smul.u32 $0x1400, s15;
	s29 =	sadd.s32 $0xB0, s3;
	s28 =	sadd.s32 $0x30, s13;
	v25 =	vadd.f32 $1.000000000e+00, v25;
	v12 =	vld [tilespmem:s18+$0x3800];
	v14 =	vmax.f32 v9, v14;
	v22 =	vmul.f32 $1.442695020e+00, v22  }
0x94: {  	s15 =	sand.u32 $0xFFFFFC00, s23;
	s16 =	sand.u32 $0xFFFFFF80, s29;
	s17 =	sand.u32 $0x70, s28;
	v20 =	vsub.f32 v21, v20;
	v19 =	vld [tilespmem:s18+$0x3802];
	v27 =	vpop (erf);
	(erf) = vpow2.f32 v11;
	v14 =	vmul.f32 $1.000000000e+01, v14  }
0x95: {  	s23 =	simm.s32 $0x200;
	s30 =	sand.u32 $0xFFFFFC00, s10;
	s31 =	sor.u32 s17, s16;
	v34 =	vld [tilespmem:s1+$0xAE];
	v27 =	vadd.f32 $1.000000000e+00, v27;
	v32 =	vpop (erf);
	(erf) = vpow2.f32 v22;
	v22 =	vmul.f32 $1.000000000e+01, v29  }
0x96: {  	s20 =	sadd.s32 s19, s30;
	s15 =	sadd.s32 s19, s15;
	s8 =	smul.u32 $0x1400, s8;
	v16 =	vsub.f32 v16, v28;
	v37 =	vmul.f32 v25, v15;
	v25 =	vld [tilespmem:s31+$0x3802];
	v21 =	vpop (erf);
	v14 =	vsub.f32 v14, v23  }
0x97: {  	s20 =	sor.u32 s6, s20;
	s24 =	sadd.s32 $0x180, s10;
	s10 =	sadd.s32 $0x80, s10;
	v11 =	vld [tilespmem:s31+$0x3800];
	v20 =	vmul.f32 $1.442695020e+00, v20;
	v29 =	vmul.f32 v27, v24;
	v24 =	vpop (erf);
	v13 =	vsub.f32 v22, v13  }
0x98: {  	s29 =	sadd.s32 $0x20, s13;
	s16 =	sand.u32 $0xFFFFFC00, s24;
	s10 =	sand.u32 $0xFFFFFC00, s10;
	v23 =	vld [tilespmem:s1+$0x9F];
	v28 =	vmul.f32 $1.442695020e+00, v14;
	v24 =	vadd.f32 $1.000000000e+00, v24;
	v14 =	vmul.f32 $1.000000000e+01, v10  }
0x99: {  	s28 =	sadd.s32 $0xA0, s3;
	s16 =	sadd.s32 s19, s16;
	s9 =	sadd.s32 s19, s10;
	v36 =	vadd.f32 $1.000000000e+00, v21;
	v21 =	vld [tilespmem:s1+$0x8F];
	(erf) = vpow2.f32 v20;
	v33 =	vmul.f32 $1.442695020e+00, v13  }
0x9a: {  	s19 =	sor.u32 s6, s15;
	s15 =	sor.u32 s6, s9;
	s9 =	simm.s32 $0x8;
	v27 =	vld [tilespmem:s18+$0x3801];
	v22 =	vmul.f32 $1.442695020e+00, v16;
	v20 =	vmul.f32 v24, v31  }
0x9b: {  	s5 =	sor.u32 s5, s0;
	s0 =	sand.u32 $0xFFFFFF80, s28;
	s26 =	smul.u32 $0xCCCD, s9;
	v16 =	vadd.f32 $1.000000000e+00, v32;
	v32 =	vld [tilespmem:s1+$0x7E];
	v31 =	vsub.f32 v1, v14;
	(erf) = vpow2.f32 v33  }
0x9c: {  	s10 =	simm.s32 $0x80;
	s24 =	sor.u32 s6, s16;
	s6 =	sor.u32 s4, s2;
	v26 =	vmax.f32 v34, v26;
	v34 =	vmul.f32 v36, v17;
	v24 =	vld [tilespmem:s1+$0x9E];
	v13 =	vpop (erf);
	(erf) = vrcp.f32 v20  }
0x9d: {  	s30 =	sshrl.u32 s26, $0x18;
	s11 =	simm.s32 $0x3880;
	s18 =	sand.u32 $0x60, s29;
	v30 =	vmax.f32 v30, v35;
	v38 =	vmul.f32 $1.442695020e+00, v31;
	v33 =	vld [tilespmem:s1+$0x8E];
	v63 =	vpop (erf);
	(erf) = vrcp.f32 v29  }
0x9e: {  	s13 =	sor.u32 s18, s0;
	s1 =	sor.u32 s7, s12;
	v13 =	vadd.f32 $1.000000000e+00, v13;
	v20 =	vmul.f32 $1.000000000e+01, v11;
	v29 =	vld [tilespmem:s31+$0x3801];
	s31 =	sshrl.u32 s26, $0xE;
	v39 =	vpop (erf);
	(erf) = vrcp.f32 v37  }
0x9f: {  	v31 =	vld [tilespmem:s13+$0x3802];
	s12 =	simm.s32 $0xC;
	v15 =	vadd.f32 $1.000000000e+00, v63;
	s26 =	smul.u32 $0x1400, s30;
	s4 =	sand.u32 $0x380, s31;
	(erf) = vpow2.f32 v38;
	v17 =	vadd.f32 $1.000000000e+00, v39  }
.LBB2_4:
0xa0: {  	[dreg:$0x17] =	wrdreg s22  }
0xa1: {  	[dreg:$0x16] =	wrdreg s20  }
0xa2: {  	[dreg:$0x15] =	wrdreg s19  }
0xa3: {  	[dreg:$0x12] =	wrdreg s24  }
0xa4: {  	[dreg:$0x11] =	wrdreg s15;
	s20 =	smov.u32 s1  }
0xa5: {  	s19 =	smulhi.u32 $0xCCCCCCCD, s12;
	s9 =	sadd.s32 $0x4, s9;
	s23 =	sadd.s32 $0x200, s23  }
0xa6: {  	s25 =	sor.u32 s21, s25;
	s10 =	sadd.s32 $0x40, s10;
	s11 =	sadd.s32 $0x40, s11  }
0xa7: {  	s0 =	smul.u32 $0xCCCD, s9;
	s28 =	ssub.s32 s23, s8;
	s1 =	sshrl.u32 s19, $0x5  }
0xa8: {  	s15 =	sand.u32 $0xFFFFFC00, s28;
	s2 =	smul.u32 $0xFFFFFD80, s1;
	s3 =	sshll.u32 s1, $0x8  }
0xa9: {  	s15 =	sadd.s32 s26, s15;
	s21 =	sadd.s32 s3, s10;
	s14 =	sand.u32 $0x3FFFFF00, s3  }
0xaa: {  	s2 =	sadd.s32 s2, s10;
	s24 =	sadd.s32 $0x80, s21;
	s31 =	sadd.s32 $0x90, s21  }
0xab: {  	s8 =	sadd.s32 $0xA0, s21;
	s14 =	sadd.s32 s14, s11;
	s22 =	sand.u32 $0x40, s2  }
0xac: {  	s16 =	sadd.s32 $0x10, s2;
	s29 =	sand.u32 $0xFFFFFF80, s31;
	s7 =	sadd.s32 $0x30, s2  }
0xad: {  	(erf) = vpow2.f32 v28;
	s31 =	sadd.s32 $0xB0, s21;
	s2 =	sadd.s32 $0x20, s2;
	s8 =	sand.u32 $0xFFFFFF80, s8  }
0xae: {  	v35 =	vld [tilespmem:s13+$0x3801];
	v48 =	vmul.f32 $1.000000000e+01, v12;
	v28 =	vpop (erf);
	(erf) = vrcp.f32 v34;
	s21 =	sand.u32 $0xFFFFFF80, s24;
	s24 =	smul.u32 $0x1400, s1;
	s3 =	sand.u32 $0x50, s16  }
0xaf: {  	v19 =	vmax.f32 v27, v19;
	(erf) = vpow2.f32 v22;
	v18 =	vmax.f32 v32, v18;
	s2 =	sand.u32 $0x60, s2;
	s19 =	sand.u32 $0xFFFFFF80, s31;
	s31 =	sor.u32 s22, s21  }
0xb0: {  	v22 =	vsub.f32 v1, v48;
	v21 =	vmax.f32 v33, v21;
	v18 =	vmax.f32 v18, v19;
	s1 =	sand.u32 $0x70, s7;
	s7 =	smov.u32 s17;
	s21 =	sadd.s32 $0x180, s28  }
0xb1: {  	v27 =	vld [tilespmem:s13+$0x3800];
	v19 =	vmax.f32 v21, v30;
	v21 =	vmax.f32 v24, v23;
	v24 =	vpop (erf);
	v18 =	vmax.f32 v12, v18;
	s30 =	sor.u32 s3, s29;
	s13 =	sor.u32 s2, s8;
	s16 =	sor.u32 s1, s19  }
0xb2: {  	v24 =	vadd.f32 $1.000000000e+00, v24;
	v18 =	vmul.f32 $1.000000000e+01, v18;
	s29 =	sadd.s32 $0x100, s28;
	s19 =	sshrl.u32 s0, $0x18;
	s8 =	sadd.s32 $0x80, s28  }
0xb3: {  	v23 =	vmax.f32 v29, v25;
	v29 =	vmax.f32 v35, v31;
	v49 =	vmul.f32 $1.442695020e+00, v22;
	v31 =	vpop (erf);
	s21 =	sand.u32 $0xFFFFFC00, s21;
	[dreg:$0x18] =	wrdreg s19;
	s17 =	sand.u32 $0xFFFFFC00, s29  }
0xb4: {  	v23 =	vmax.f32 v26, v23;
	v25 =	vpop (erf);
	v24 =	vmul.f32 v24, v16;
	v26 =	vsub.f32 v18, v48;
	s29 =	sshrl.u32 s0, $0xE;
	s0 =	smov.u32 s18;
	s18 =	sand.u32 $0xFFFFFC00, s8  }
0xb5: {  	v16 =	vpop (erf);
	v18 =	vmax.f32 v11, v23;
	v23 =	vmax.f32 v10, v19;
	v19 =	vsub.f32 v1, v20;
	s8 =	rddreg [dreg:$0x7];
	s17 =	sadd.s32 s26, s17;
	s18 =	sadd.s32 s26, s18  }
0xb6: {  	v56 =	vadd.f32 $1.000000000e+00, v28;
	v36 =	vld [tilespmem:s14+$0xAF];
	(erf) = vpow2.f32 v49;
	v51 =	vmul.f32 $1.000000000e+01, v27;
	v22 =	vpop (erf);
	s28 =	sor.u32 s4, s17;
	s17 =	sadd.s32 s26, s21;
	s21 =	smov.u32 s8  }
0xb7: {  	v21 =	vmax.f32 v21, v29;
	v50 =	vld [tilespmem:s30+$0x3800];
	v52 =	vmul.f32 v16, v5;
	v30 =	vpop (erf);
	v19 =	vmul.f32 $1.442695020e+00, v19;
	s8 =	smov.u32 s22;
	s26 =	sor.u32 s4, s17;
	s17 =	rddreg [dreg:$0x9]  }
0xb8: {  	s15 =	sor.u32 s4, s15;
	v25 =	vmul.f32 v25, v2;
	v29 =	vld [tilespmem:s30+$0x3801];
	v53 =	vmul.f32 $1.000000000e+01, v18;
	v16 =	vadd.f32 $1.000000000e+00, v22;
	v18 =	vpop (erf);
	[dreg:$0x9] =	wrdreg s8  }
0xb9: {  	v54 =	vld [tilespmem:s16+$0x3800];
	v22 =	vsub.f32 v1, v51;
	[tilespmem:s25+$0x7000] =	vst v52;
	s22 =	smov.u32 s3;
	s4 =	sor.u32 s4, s18;
	s18 =	rddreg [dreg:$0x8];
	v37 =	vpop (erf);
	(erf) = vpow2.f32 v19;
	v19 =	vmul.f32 v31, v4  }
0xba: {  	v21 =	vmax.f32 v27, v21;
	[tilespmem:s6+$0x7000] =	vst v25;
	vm3 =	vge.f32 v25, v0;
	vm2 =	vge.f32 v52, v0;
	v55 =	vld [tilespmem:s31+$0x3800];
	[dreg:$0x8] =	wrdreg s22  }
0xbb: {  	v22 =	vmul.f32 $1.442695020e+00, v22;
	v25 =	vnsel vm2, $0x0, v5;
	s8 =	smov.u32 s24;
	s24 =	rddreg [dreg:$0x12];
	v38 =	vmul.f32 v18, v6;
	v18 =	vld [tilespmem:s14+$0x7F];
	[tilespmem:s5+$0x7000] =	vst v19  }
0xbc: {  	v21 =	vmul.f32 $1.000000000e+01, v21;
	s19 =	smov.u32 s18;
	vm1 =	vge.f32 v19, v0;
	v19 =	vld [tilespmem:s31+$0x3802];
	[tilespmem:s25+$0x9800] =	vst v25;
	s25 =	smov.u32 s17;
	s17 =	rddreg [dreg:$0x13]  }
0xbd: {  	v35 =	vmul.f32 v56, v13;
	v31 =	vsub.f32 v53, v20;
	(erf) = vpow2.f32 v22;
	[dreg:$0x13] =	wrdreg s19  }
0xbe: {  	v23 =	vmul.f32 $1.000000000e+01, v23;
	v28 =	vsub.f32 v21, v51;
	v21 =	vld [tilespmem:s14+$0x8F];
	v5 =	vmovc v7;
	v7 =	vmovc v12;
	v12 =	vmul.f32 $1.442695020e+00, v26;
	s19 =	rddreg [dreg:$0x15]  }
0xbf: {  	s12 =	sadd.s32 $0x4, s12;
	p6 =	slt.u32 s9, $0x13C;
	vm0 =	vge.f32 v38, v0;
	v22 =	vmul.f32 $1.442695020e+00, v31;
	v31 =	vnsel vm3, $0x0, v2;
	v39 =	vld [tilespmem:s14+$0xAE];
	[dreg:$0x7] =	wrdreg s25  }
0xc0: {  	v26 =	vsub.f32 v23, v14;
	v14 =	vmul.f32 $1.000000000e+01, v50;
	v25 =	vld [tilespmem:s16+$0x3802];
	[tilespmem:s6+$0x9800] =	vst v31;
	s6 =	smov.u32 s17;
	s25 =	rddreg [dreg:$0x17];
	v58 =	vnsel vm0, $0x0, v6;
	v6 =	vmovc v9;
	s17 =	smov.u32 s1  }
0xc1: {  	v9 =	vmov v27;
	v27 =	vld [tilespmem:s31+$0x3801];
	s1 =	smov.u32 s19;
	s19 =	smov.u32 s28;
	s28 =	rddreg [dreg:$0x11];
	v20 =	vpop (erf);
	(erf) = vpow2.f32 v12;
	v12 =	vadd.f32 $1.000000000e+00, v37  }
0xc2: {  	v30 =	vadd.f32 $1.000000000e+00, v30;
	s22 =	smov.u32 s0;
	s18 =	smov.u32 s2;
	v40 =	vmul.f32 $1.442695020e+00, v26;
	[tilespmem:s20+$0x7000] =	vst v38;
	v31 =	vnsel vm1, $0x0, v4;
	s31 =	rddreg [dreg:$0x18];
	v57 =	vld [tilespmem:s30+$0x3802]  }
0xc3: {  	v28 =	vmul.f32 $1.442695020e+00, v28;
	v23 =	vld [tilespmem:s14+$0x9F];
	v59 =	vsub.f32 v1, v14;
	[tilespmem:s5+$0x9800] =	vst v31;
	s3 =	smov.u32 s25;
	s30 =	rddreg [dreg:$0x14];
	s5 =	smov.u32 s7;
	v61 =	vmul.f32 v12, v15  }
.Ltmp1:
0xc4: {  	v34 =	vmul.f32 v30, v17;
	v31 =	vld [tilespmem:s13+$0x3802];
	[tilespmem:s20+$0x9800] =	vst v58;
	s7 =	rddreg [dreg:$0x16];
	s20 =	smov.u32 s15;
	v20 =	vadd.f32 $1.000000000e+00, v20;
	v60 =	vpop (erf);
	(erf) = vpow2.f32 v40;
	(pc) =	sbr.rel @p6 .LBB2_4-.Ltmp1, $4  }
0xc5: {  	v4 =	vmovc v8;
	v8 =	vmovc v11;
	v11 =	vmov v54;
	v32 =	vld [tilespmem:s14+$0x7E];
	s15 =	smov.u32 s4;
	s4 =	sand.u32 $0x380, s29;
	s2 =	smov.u32 s30;
	v62 =	vmul.f32 $1.442695020e+00, v59;
	(erf) = vrcp.f32 v61  }
0xc6: {  	v33 =	vld [tilespmem:s14+$0x8E];
	[dreg:$0x14] =	wrdreg s5;
	s25 =	smov.u32 s7;
	s5 =	smov.u32 s24;
	v13 =	vmov v20;
	v20 =	vmul.f32 $1.000000000e+01, v11;
	v63 =	vpop (erf);
	(erf) = vrcp.f32 v24  }
0xc7: {  	v2 =	vmovc v3;
	v3 =	vmovc v10;
	s24 =	smov.u32 s26;
	s30 =	smov.u32 s28;
	s26 =	smul.u32 $0x1400, s31;
	v26 =	vmax.f32 v39, v36;
	v30 =	vmax.f32 v29, v57;
	v29 =	vld [tilespmem:s16+$0x3801];
	(erf) = vrcp.f32 v35  }
0xc8: {  	v10 =	vmovc v50;
	s1 =	sor.u32 s3, s1;
	s6 =	sor.u32 s6, s30;
	s5 =	sor.u32 s2, s5;
	v12 =	vmovc v55;
	v15 =	vadd.f32 $1.000000000e+00, v60;
	v24 =	vld [tilespmem:s14+$0x9E];
	v17 =	vadd.f32 $1.000000000e+00, v63;
	(erf) = vpow2.f32 v62  }
0xc9: {  	(erf) = vpow2.f32 v28  }
0xca: {  	v46 =	vld [tilespmem:s13+$0x3801];
	(erf) = vrcp.f32 v34  }
0xcb: {  	v27 =	vmax.f32 v27, v19;
	v19 =	vld [tilespmem:s13+$0x3800];
	v47 =	vmul.f32 $1.000000000e+01, v12;
	(erf) = vpow2.f32 v22  }
0xcc: {  	v55 =	vsub.f32 v1, v20;
	v18 =	vmax.f32 v32, v18;
	v48 =	vpop (erf);
	v21 =	vmax.f32 v33, v21  }
0xcd: {  	v18 =	vmax.f32 v18, v27;
	v49 =	vsub.f32 v1, v47;
	v22 =	vadd.f32 $1.000000000e+00, v48;
	v50 =	vpop (erf)  }
0xce: {  	v21 =	vmax.f32 v21, v30;
	v18 =	vmax.f32 v12, v18;
	v51 =	vmax.f32 v29, v25;
	v25 =	vpop (erf)  }
0xcf: {  	v23 =	vmax.f32 v24, v23;
	v18 =	vmul.f32 $1.000000000e+01, v18;
	v27 =	vmul.f32 $1.442695020e+00, v49;
	v53 =	vpop (erf)  }
0xd0: {  	v21 =	vmax.f32 v10, v21;
	v28 =	vmax.f32 v46, v31;
	v56 =	vmul.f32 $1.000000000e+01, v19;
	v54 =	vpop (erf)  }
0xd1: {  	v52 =	vadd.f32 $1.000000000e+00, v50;
	v31 =	vmul.f32 $1.442695020e+00, v55;
	v21 =	vmul.f32 $1.000000000e+01, v21;
	v57 =	vpop (erf)  }
0xd2: {  	v23 =	vmax.f32 v23, v28;
	v18 =	vsub.f32 v18, v47;
	v59 =	vsub.f32 v1, v56;
	v58 =	vpop (erf)  }
0xd3: {  	(erf) = vpow2.f32 v27;
	v16 =	vmul.f32 v52, v16;
	v23 =	vmax.f32 v19, v23;
	v60 =	vpop (erf)  }
0xd4: {  	(erf) = vpow2.f32 v31;
	v14 =	vsub.f32 v21, v14;
	v62 =	vmul.f32 $1.442695020e+00, v59;
	v61 =	vpop (erf)  }
0xd5: {  	v63 =	vmul.f32 $1.000000000e+01, v23;
	v18 =	vmul.f32 $1.442695020e+00, v18;
	v29 =	vadd.f32 $1.000000000e+00, v61  }
0xd6: {  	v24 =	vmax.f32 v26, v51;
	v14 =	vmul.f32 $1.442695020e+00, v14;
	(erf) = vpow2.f32 v62  }
0xd7: {  	v24 =	vmax.f32 v11, v24;
	(erf) = vpow2.f32 v18;
	v15 =	vmul.f32 v29, v15  }
0xd8: {  	v31 =	vmul.f32 $1.000000000e+01, v24;
	v21 =	vsub.f32 v63, v56;
	(erf) = vpow2.f32 v14  }
0xd9: {  	v13 =	vmul.f32 v22, v13;
	v34 =	vadd.f32 $1.000000000e+00, v58;
	(erf) = vrcp.f32 v15  }
0xda: {  	v35 =	vsub.f32 v31, v20;
	v36 =	vmul.f32 $1.442695020e+00, v21;
	(erf) = vrcp.f32 v16  }
0xdb: {  	v14 =	vmul.f32 v34, v17;
	(erf) = vrcp.f32 v13  }
0xdc: {  	v37 =	vmul.f32 $1.442695020e+00, v35;
	(erf) = vpow2.f32 v36  }
0xdd: {  	v38 =	vpop (erf);
	(erf) = vrcp.f32 v14  }
0xde: {  	v39 =	vpop (erf);
	(erf) = vpow2.f32 v37  }
0xdf: {  	v40 =	vpop (erf)  }
0xe0: {  	v41 =	vpop (erf)  }
0xe1: {  	v42 =	vpop (erf)  }
0xe2: {  	v43 =	vpop (erf)  }
0xe3: {  	v44 =	vpop (erf)  }
0xe4: {  	v45 =	vpop (erf)  }
0xe5: {  	v25 =	vmul.f32 v25, v4;
	v50 =	vmul.f32 v53, v2;
	v47 =	vpop (erf)  }
0xe6: {  	v46 =	vmul.f32 v54, v5;
	v49 =	vpop (erf)  }
0xe7: {  	vm6 =	vge.f32 v25, v0;
	v48 =	vadd.f32 $1.000000000e+00, v57;
	vm1 =	vge.f32 v50, v0;
	v51 =	vpop (erf)  }
0xe8: {  	vm0 =	vge.f32 v46, v0;
	v14 =	vadd.f32 $1.000000000e+00, v39;
	v29 =	vadd.f32 $1.000000000e+00, v51  }
0xe9: {  	[tilespmem:s5+$0x7000] =	vst v25;
	v2 =	vnsel vm1, $0x0, v2;
	v27 =	vmul.f32 v60, v6;
	v17 =	vadd.f32 $1.000000000e+00, v42  }
0xea: {  	s0 =	sor.u32 s21, s25;
	[tilespmem:s6+$0x7000] =	vst v50;
	v15 =	vadd.f32 $1.000000000e+00, v38;
	v16 =	vadd.f32 $1.000000000e+00, v41;
	v14 =	vmul.f32 v29, v14  }
0xeb: {  	[tilespmem:s0+$0x7000] =	vst v46;
	v53 =	vadd.f32 $1.000000000e+00, v40;
	v54 =	vmul.f32 v17, v48;
	v55 =	vadd.f32 $1.000000000e+00, v47  }
0xec: {  	v56 =	vnsel vm6, $0x0, v4;
	[tilespmem:s6+$0x9800] =	vst v2;
	v15 =	vmul.f32 v16, v15;
	(erf) = vrcp.f32 v14  }
0xed: {  	v52 =	vnsel vm0, $0x0, v5;
	[tilespmem:s5+$0x9800] =	vst v56;
	v2 =	vmul.f32 v55, v53;
	(erf) = vrcp.f32 v54  }
0xee: {  	[tilespmem:s0+$0x9800] =	vst v52;
	vm7 =	vge.f32 v27, v0;
	(erf) = vrcp.f32 v15  }
0xef: {  	[tilespmem:s1+$0x7000] =	vst v27;
	(erf) = vrcp.f32 v2;
	v2 =	vnsel vm7, $0x0, v6  }
0xf0: {  	[tilespmem:s1+$0x9800] =	vst v2  }
0xf1: {  	v57 =	vmul.f32 v45, v7;
	s0 =	rddreg [dreg:$0x7]  }
0xf2: {  	v2 =	vmul.f32 v49, v9;
	s0 =	sor.u32 s0, s20  }
0xf3: {  	s22 =	sor.u32 s22, s19;
	v58 =	vmul.f32 v43, v8;
	vm8 =	vge.f32 v57, v0;
	[tilespmem:s0+$0x7000] =	vst v57  }
0xf4: {  	v59 =	vmul.f32 v44, v3;
	v4 =	vnsel vm8, $0x0, v7;
	s2 =	rddreg [dreg:$0x14];
	[tilespmem:s22+$0x7000] =	vst v2  }
0xf5: {  	vm10 =	vge.f32 v58, v0;
	s2 =	sor.u32 s2, s24;
	s5 =	rddreg [dreg:$0x13];
	[tilespmem:s0+$0x9800] =	vst v4  }
0xf6: {  	vm9 =	vge.f32 v59, v0;
	vm11 =	vge.f32 v2, v0;
	v2 =	vnsel vm10, $0x0, v8;
	[tilespmem:s2+$0x7000] =	vst v58  }
0xf7: {  	s3 =	sadd.s32 $0x200, s23;
	v3 =	vnsel vm9, $0x0, v3;
	s5 =	sor.u32 s5, s15;
	[tilespmem:s2+$0x9800] =	vst v2  }
0xf8: {  	s3 =	ssub.s32 s3, s8;
	v60 =	vpop (erf);
	[tilespmem:s5+$0x7000] =	vst v59  }
0xf9: {  	s7 =	sadd.s32 $0x100, s3;
	s29 =	sadd.s32 $0x180, s3;
	s24 =	sand.u32 $0xFFFFFC00, s3;
	v61 =	vpop (erf);
	v2 =	vnsel vm11, $0x0, v9;
	[tilespmem:s5+$0x9800] =	vst v3  }
0xfa: {  	s7 =	sand.u32 $0xFFFFFC00, s7;
	s31 =	sand.u32 $0xFFFFFC00, s29;
	s6 =	sadd.s32 s26, s24;
	v3 =	vpop (erf);
	[tilespmem:s22+$0x9800] =	vst v2  }
0xfb: {  	s28 =	sadd.s32 s26, s7;
	s25 =	sor.u32 s4, s6;
	v3 =	vmul.f32 v3, v12;
	v62 =	vpop (erf);
	s1 =	rddreg [dreg:$0x9]  }
0xfc: {  	s30 =	sor.u32 s4, s28;
	s6 =	sadd.s32 s26, s31;
	s0 =	sor.u32 s1, s25;
	v2 =	vmul.f32 v62, v19  }
0xfd: {  	s9 =	sor.u32 s18, s30;
	v63 =	vmul.f32 v60, v11;
	s8 =	sor.u32 s4, s6;
	[tilespmem:s0+$0x7000] =	vst v3  }
0xfe: {  	s3 =	sadd.s32 $0x80, s3;
	s2 =	sor.u32 s17, s8;
	vm12 =	vge.f32 v3, v0;
	[tilespmem:s9+$0x7000] =	vst v2  }
0xff: {  	s3 =	sand.u32 $0xFFFFFC00, s3;
	vm14 =	vge.f32 v63, v0;
	v3 =	vnsel vm12, $0x0, v12;
	s10 =	rddreg [dreg:$0x8];
	[tilespmem:s2+$0x7000] =	vst v63  }
0x100: {  	s7 =	sadd.s32 s26, s3;
	v4 =	vmul.f32 v61, v10;
	vm15 =	vge.f32 v2, v0;
	v2 =	vnsel vm14, $0x0, v11;
	[tilespmem:s0+$0x9800] =	vst v3  }
0x101: {  	s1 =	sor.u32 s4, s7;
	[tilespmem:s2+$0x9800] =	vst v2;
	v2 =	vnsel vm15, $0x0, v19  }
0x102: {  	vm13 =	vge.f32 v4, v0;
	s1 =	sor.u32 s10, s1;
	[tilespmem:s9+$0x9800] =	vst v2  }
0x103: {  	s17 =	simm.s32 $0x0;
	v3 =	vnsel vm13, $0x0, v10;
	[tilespmem:s1+$0x7000] =	vst v4  }
0x104: {  	s11 =	simm.s32 $0x7000;
	s13 =	simm.s32 $0x9800;
	s18 =	smulhi.u32 $0x24924925, s17;
	[tilespmem:s1+$0x9800] =	vst v3  }
0x105: {  	s0 =	simm.s32 $0x0;
	s2 =	simm.s32 $0x0;
	s1 =	rddreg [dreg:$0x1f]  }
0x106: {  	s20 =	smul.u32 $0xFFFFE400, s18;
	s15 =	sand.u32 $0xFFF8, s2;
	s12 =	sld [smem:$0x7FA]  }
0x107: {  	[hbm4b:s1+s0] =	stream.linear.scatter [tilespmem:s11], [sflag:$0x1], $0x1400, $0x38;
	[tilespmem:$0xC080] =	vst v63  }
0x108: {  	s21 =	sadd.s32 $0x8, s18;
	s4 =	smul.u32 $0x6E00, s18;
	s1 =	sshrl.u32 s15, $0x3  }
0x109: {  	s14 =	simm.s32 $0x1;
	s6 =	sshrl.u32 s21, $0x3;
	s16 =	smul.u32 $0x2493, s1  }
0x10a: {  	[hbm4b:s12+s0] =	stream.linear.scatter [tilespmem:s13], [sflag:$0x1], $0x1400, $0x38;
	[tilespmem:$0xC080] =	vst v63  }
0x10b: {  	s23 =	sadd.s32 $0x0, s20;
	s6 =	smul.u32 $0x7000, s6;
	_ =	swait.ge [sflag:s14], $0x400  }
0x10c: {  	s9 =	sadd.s32 $0x80, s23;
	s19 =	sshrl.u32 s16, $0x10;
	[sflag:s14] =	ssyncset.done $0x0  }
0x10d: {  	s5 =	sadd.s32 $0x380, s23;
	s1 =	sadd.s32 $0x8, s19;
	[sflag:s14] =	ssyncadd.s32 $0xFFFFFC00  }
0x10e: {  	s25 =	sadd.s32 $0x100, s23;
	s1 =	sshrl.u32 s1, $0x3;
	_ =	swait.ge [sflag:s14], $0x1400  }
0x10f: {  	s26 =	sadd.s32 $0x280, s23;
	s22 =	smul.u32 $0x7000, s1;
	[sflag:s14] =	ssyncset.done $0x0  }
0x110: {  	s8 =	sadd.s32 $0x300, s23;
	s10 =	sand.u32 $0xFFFFFC00, s5;
	[sflag:s14] =	ssyncadd.s32 $0xFFFFEC00  }
0x111: {  	s3 =	sshrl.u32 s16, $0x9;
	s7 =	sshrl.u32 s22, $0x2;
	_ =	swait.ge [sflag:s14], $0x400  }
0x112: {  	s5 =	sand.u32 $0x380, s3;
	s24 =	sadd.s32 s10, s7;
	[sflag:s14] =	ssyncset.done $0x0  }
0x113: {  	s11 =	sadd.s32 $0x180, s23;
	s3 =	sor.u32 s5, s24;
	[sflag:s14] =	ssyncadd.s32 $0xFFFFFC00  }
0x114: {  	s4 =	ssub.s32 s6, s4;
	s28 =	sand.u32 $0xFFFFFC00, s9;
	s29 =	sand.u32 $0xFFFFFC00, s25;
	v2 =	vld [tilespmem:s3+$0x70]  }
0x115: {  	s30 =	sand.u32 $0xFFFFFC00, s11;
	s6 =	sshra.s32 s4, $0x2;
	s12 =	sadd.s32 $0x200, s23  }
0x116: {  	s4 =	simm.s32 $0x0;
	s31 =	sand.u32 $0xFFFFFC00, s12;
	s1 =	simm.s32 $0x5470  }
0x117: {  	s11 =	sadd.s32 s28, s7;
	s12 =	sadd.s32 s29, s7;
	s10 =	sadd.s32 s30, s7  }
0x118: {  	s14 =	sand.u32 $0xFFFFFC00, s8;
	s8 =	sadd.s32 s31, s7;
	s3 =	sand.u32 $0xFFFFFC00, s26  }
0x119: {  	s9 =	sadd.s32 s3, s7;
	s7 =	sadd.s32 s14, s7;
	s3 =	simm.s32 $0x0;
	[tilespmem:s1+$0x0] =	vst v2  }
.LBB2_6:
0x11a: {  	s2 =	sadd.s32 $0x8, s2;
	s11 =	sor.u32 s5, s11;
	s12 =	sor.u32 s5, s12  }
0x11b: {  	s10 =	sor.u32 s5, s10;
	s8 =	sor.u32 s5, s8;
	s13 =	sand.u32 $0xFFF8, s2;
	v2 =	vld [tilespmem:s11+$0x10]  }
0x11c: {  	s9 =	sor.u32 s5, s9;
	s0 =	sadd.s32 $0x8, s0;
	s11 =	sshrl.u32 s13, $0x3;
	v3 =	vld [tilespmem:s12+$0x20]  }
0x11d: {  	s5 =	sor.u32 s5, s7;
	s12 =	sshrl.u32 s0, $0x3;
	s11 =	smul.u32 $0x2493, s11;
	v4 =	vld [tilespmem:s10+$0x30]  }
0x11e: {  	s6 =	sadd.s32 s6, s3;
	p6 =	slt.u32 s2, $0x1B8;
	s7 =	smulhi.u32 $0x24924925, s12;
	v5 =	vld [tilespmem:s8+$0x40]  }
0x11f: {  	s4 =	sadd.s32 $0x400, s4;
	s8 =	sshrl.u32 s11, $0x10;
	v6 =	vld [tilespmem:s9+$0x50]  }
0x120: {  	s9 =	smul.u32 $0xFFFFE400, s7;
	s10 =	sadd.s32 $0x8, s7;
	s8 =	sadd.s32 $0x8, s8;
	[tilespmem:s1+$0xFFFFFFA0] =	vst v2;
	v2 =	vld [tilespmem:s5+$0x60]  }
0x121: {  	s3 =	sadd.s32 $0x400, s3;
	s5 =	sshrl.u32 s10, $0x3;
	s8 =	sshrl.u32 s8, $0x3;
	v7 =	vld [tilespmem:s6+$0x0];
	[tilespmem:s1+$0xFFFFFFB0] =	vst v3  }
0x122: {  	s11 =	sshrl.u32 s11, $0x9;
	s6 =	smul.u32 $0x7000, s8;
	s8 =	sadd.s32 s9, s4;
	[tilespmem:s1+$0xFFFFFFC0] =	vst v4  }
0x123: {  	s9 =	smul.u32 $0x7000, s5;
	s10 =	sadd.s32 $0x80, s8;
	s5 =	sadd.s32 $0x380, s8;
	[tilespmem:s1+$0xFFFFFFD0] =	vst v5  }
0x124: {  	s7 =	smul.u32 $0x6E00, s7;
	s13 =	sshrl.u32 s6, $0x2;
	s6 =	sand.u32 $0xFFFFFC00, s5;
	[tilespmem:s1+$0xFFFFFFE0] =	vst v6  }
0x125: {  	s12 =	sadd.s32 $0x180, s8;
	s5 =	sand.u32 $0x380, s11;
	s6 =	sadd.s32 s6, s13;
	[tilespmem:s1+$0xFFFFFFF0] =	vst v2  }
0x126: {  	s14 =	sadd.s32 $0x200, s8;
	s11 =	sadd.s32 $0x100, s8;
	s6 =	sor.u32 s5, s6;
	[tilespmem:s1+$0xFFFFFF90] =	vst v7  }
0x127: {  	s15 =	sadd.s32 $0x280, s8;
	s8 =	sadd.s32 $0x300, s8;
	v2 =	vld [tilespmem:s6+$0x70];
	s6 =	ssub.s32 s9, s7  }
.Ltmp2:
0x128: {  	s7 =	sand.u32 $0xFFFFFC00, s10;
	s9 =	sand.u32 $0xFFFFFC00, s11;
	(pc) =	sbr.rel @p6 .LBB2_6-.Ltmp2, $4  }
0x129: {  	s14 =	sand.u32 $0xFFFFFC00, s14;
	s15 =	sand.u32 $0xFFFFFC00, s15;
	s10 =	sand.u32 $0xFFFFFC00, s12  }
0x12a: {  	s11 =	sadd.s32 s7, s13;
	s12 =	sadd.s32 s9, s13;
	s7 =	sand.u32 $0xFFFFFC00, s8  }
0x12b: {  	s1 =	sadd.s32 $0x80, s1;
	s10 =	sadd.s32 s10, s13;
	s8 =	sadd.s32 s14, s13  }
0x12c: {  	s6 =	sshra.s32 s6, $0x2;
	s9 =	sadd.s32 s15, s13;
	s7 =	sadd.s32 s7, s13;
	[tilespmem:s1+$0x0] =	vst v2  }
0x12d: {  	s0 =	sor.u32 s5, s11  }
0x12e: {  	s2 =	sor.u32 s5, s12;
	v2 =	vld [tilespmem:s0+$0x10]  }
0x12f: {  	s4 =	sor.u32 s5, s10;
	v3 =	vld [tilespmem:s2+$0x20]  }
0x130: {  	s10 =	sor.u32 s5, s8;
	v4 =	vld [tilespmem:s4+$0x30]  }
0x131: {  	s11 =	sor.u32 s5, s9;
	v5 =	vld [tilespmem:s10+$0x40]  }
0x132: {  	s13 =	sadd.s32 s6, s3;
	v6 =	vld [tilespmem:s11+$0x50]  }
0x133: {  	s12 =	sor.u32 s5, s7;
	v7 =	vld [tilespmem:s13+$0x0];
	[tilespmem:s1+$0xFFFFFFA0] =	vst v2  }
0x134: {  	v2 =	vld [tilespmem:s12+$0x60];
	[tilespmem:s1+$0xFFFFFFB0] =	vst v3  }
0x135: {  	[tilespmem:s1+$0xFFFFFFC0] =	vst v4  }
0x136: {  	[tilespmem:s1+$0xFFFFFFD0] =	vst v5  }
0x137: {  	[tilespmem:s1+$0xFFFFFFE0] =	vst v6  }
0x138: {  	[tilespmem:s1+$0xFFFFFF90] =	vst v7  }
0x139: {  	[tilespmem:s1+$0xFFFFFFF0] =	vst v2;
	v2 =	vimm.f32 @!p4 $-Inf  }
0x13a: {  	[tilespmem:$0x5470] =	vst @!p4 v2  }
0x13b: {  	[tilespmem:$0x57F0] =	vst @!p4 v2  }
0x13c: {  	[tilespmem:$0x5B70] =	vst @!p4 v2  }
0x13d: {  	[tilespmem:$0x5EF0] =	vst @!p4 v2  }
0x13e: {  	[tilespmem:$0x6270] =	vst @!p4 v2  }
0x13f: {  	[tilespmem:$0x65F0] =	vst @!p4 v2  }
0x140: {  	[tilespmem:$0x6970] =	vst @!p4 v2  }
0x141: {  	[tilespmem:$0x6CF0] =	vst @!p4 v2;
	v2 =	vimm.f32 @p5 $-Inf  }
0x142: {  	[tilespmem:$0x56A0] =	vst @p5 v2  }
0x143: {  	s14 =	simm.s32 $0x0;
	[tilespmem:$0x5A20] =	vst @p5 v2  }
0x144: {  	s0 =	smulhi.u32 $0xCCCCCCCD, s14;
	[tilespmem:$0x5DA0] =	vst @p5 v2  }
0x145: {  	[tilespmem:$0x6120] =	vst @p5 v2  }
0x146: {  	s1 =	sshrl.u32 s0, $0x5;
	[tilespmem:$0x64A0] =	vst @p5 v2  }
0x147: {  	s0 =	sshll.u32 s1, $0x8;
	[tilespmem:$0x6820] =	vst @p5 v2  }
0x148: {  	[tilespmem:$0x6BA0] =	vst @p5 v2;
	s15 =	sand.u32 $0x3FFFFF00, s0  }
0x149: {  	[tilespmem:$0x6F20] =	vst @p5 v2;
	s2 =	sadd.s32 $0x3800, s15  }
0x14a: {  	v9 =	vld [tilespmem:s2+$0x1C7F]  }
0x14b: {  	v11 =	vld [tilespmem:s2+$0x1C7E]  }
0x14c: {  	v6 =	vld [tilespmem:s2+$0x1C9E]  }
0x14d: {  	s16 =	smul.u32 $0xFFFFFD80, s1;
	v7 =	vld [tilespmem:s2+$0x1CAF]  }
0x14e: {  	s0 =	sadd.s32 $0x0, s0;
	v8 =	vld [tilespmem:s2+$0x1C8F]  }
0x14f: {  	s3 =	sadd.s32 $0x0, s16;
	s17 =	sadd.s32 $0x1C80, s0;
	v12 =	vld [tilespmem:s2+$0x1C8E]  }
0x150: {  	v13 =	vld [tilespmem:s2+$0x1C9F];
	s5 =	sand.u32 $0x40, s3;
	s6 =	sand.u32 $0xFFFFFF80, s17  }
0x151: {  	v16 =	vld [tilespmem:s2+$0x1CAE];
	s6 =	sor.u32 s5, s6  }
0x152: {  	s4 =	sadd.s32 $0x1C90, s0;
	s19 =	sadd.s32 $0x1CB0, s0;
	s18 =	sadd.s32 $0x30, s3;
	v3 =	vld [tilespmem:s6+$0x3800]  }
0x153: {  	s20 =	sadd.s32 $0x10, s3;
	s21 =	sand.u32 $0xFFFFFF80, s19;
	s7 =	sand.u32 $0x70, s18;
	v20 =	vld [tilespmem:s6+$0x3801]  }
0x154: {  	s4 =	sand.u32 $0xFFFFFF80, s4;
	s8 =	sand.u32 $0x50, s20;
	s22 =	sor.u32 s7, s21;
	v22 =	vld [tilespmem:s6+$0x3802]  }
0x155: {  	s0 =	sadd.s32 $0x1CA0, s0;
	s3 =	sadd.s32 $0x20, s3;
	s4 =	sor.u32 s8, s4;
	v4 =	vld [tilespmem:s22+$0x3800]  }
0x156: {  	s0 =	sand.u32 $0xFFFFFF80, s0;
	s30 =	sand.u32 $0x60, s3;
	v14 =	vld [tilespmem:s4+$0x3802]  }
0x157: {  	s23 =	simm.s32 $0x4;
	s0 =	sor.u32 s30, s0;
	v15 =	vld [tilespmem:s22+$0x3801]  }
0x158: {  	s2 =	smulhi.u32 $0xCCCCCCCD, s23;
	v17 =	vld [tilespmem:s0+$0x3802]  }
0x159: {  	v5 =	vld [tilespmem:s4+$0x3800]  }
0x15a: {  	v19 =	vld [tilespmem:s4+$0x3801];
	s4 =	sshrl.u32 s2, $0x5  }
0x15b: {  	v18 =	vld [tilespmem:s22+$0x3802];
	s2 =	sshll.u32 s4, $0x8  }
0x15c: {  	v21 =	vld [tilespmem:s0+$0x3801];
	s25 =	smul.u32 $0xFFFFFD80, s4;
	s24 =	sand.u32 $0x3FFFFF00, s2  }
0x15d: {  	v2 =	vld [tilespmem:s0+$0x3800];
	s3 =	sadd.s32 $0x3840, s24  }
0x15e: {  	s1 =	smul.u32 $0x1400, s1;
	s29 =	sadd.s32 $0x40, s25;
	v23 =	vld [tilespmem:s3+$0x1C9E]  }
0x15f: {  	s20 =	simm.s32 $0x0;
	s26 =	sadd.s32 $0x40, s2;
	v8 =	vmax.f32 v12, v8;
	v6 =	vmax.f32 v6, v13;
	v13 =	vld [tilespmem:s3+$0x1CAF];
	s14 =	sadd.s32 $0x30, s29  }
0x160: {  	v7 =	vmax.f32 v16, v7;
	s2 =	sadd.s32 $0x1C90, s26;
	s15 =	sadd.s32 $0x1CB0, s26;
	v10 =	vmul.f32 $1.000000000e+01, v3;
	v25 =	vld [tilespmem:s3+$0x1C8F];
	v16 =	vmul.f32 $1.000000000e+01, v4;
	s13 =	sand.u32 $0x70, s14  }
0x161: {  	s31 =	sadd.s32 $0x1C80, s26;
	s17 =	sand.u32 $0xFFFFFF80, s15;
	v24 =	vmul.f32 $1.000000000e+01, v5;
	v15 =	vmax.f32 v15, v18;
	v14 =	vmax.f32 v19, v14;
	v18 =	vld [tilespmem:s3+$0x1C8E];
	[dreg:$0x5] =	wrdreg s13  }
0x162: {  	s16 =	sadd.s32 $0x10, s29;
	s2 =	sand.u32 $0xFFFFFF80, s2;
	v17 =	vmax.f32 v21, v17;
	v21 =	vmul.f32 $1.000000000e+01, v2;
	v12 =	vsub.f32 v1, v10;
	s10 =	sor.u32 s13, s17;
	v19 =	vld [tilespmem:s3+$0x1C9F]  }
0x163: {  	s19 =	sand.u32 $0xFFFFFF80, s31;
	s28 =	sand.u32 $0x50, s16;
	v8 =	vmax.f32 v8, v14;
	v15 =	vmax.f32 v7, v15;
	s17 =	sand.u32 $0x40, s29;
	v17 =	vmax.f32 v6, v17;
	v7 =	vld [tilespmem:s10+$0x3800]  }
0x164: {  	s6 =	sadd.s32 $0x20, s29;
	s18 =	sor.u32 s28, s2;
	v14 =	vsub.f32 v1, v24;
	s2 =	sor.u32 s17, s19;
	v8 =	vmax.f32 v5, v8;
	v27 =	vld [tilespmem:s10+$0x3801];
	v12 =	vmul.f32 $1.442695020e+00, v12  }
0x165: {  	s9 =	smul.u32 $0xCCCD, s20;
	s0 =	sadd.s32 $0x1CA0, s26;
	s21 =	sand.u32 $0x60, s6;
	v26 =	vsub.f32 v1, v16;
	v17 =	vmax.f32 v2, v17;
	v6 =	vld [tilespmem:s2+$0x3800];
	v8 =	vmul.f32 $1.000000000e+01, v8  }
0x166: {  	s1 =	ssub.s32 $0x0, s1;
	s0 =	sand.u32 $0xFFFFFF80, s0;
	v14 =	vmul.f32 $1.442695020e+00, v14;
	(erf) = vpow2.f32 v12;
	v12 =	vmax.f32 v4, v15;
	v15 =	vld [tilespmem:s18+$0x3802];
	[dreg:$0x6] =	wrdreg s21  }
0x167: {  	s22 =	sshrl.u32 s9, $0x15;
	s9 =	sshrl.u32 s9, $0xE;
	s12 =	sor.u32 s21, s0;
	v26 =	vmul.f32 $1.442695020e+00, v26;
	v24 =	vsub.f32 v8, v24;
	v12 =	vmul.f32 $1.000000000e+01, v12;
	v8 =	vld [tilespmem:s18+$0x3800]  }
0x168: {  	s23 =	sadd.s32 $0x8, s22;
	v28 =	vmax.f32 v11, v9;
	s24 =	simm.s32 $0x4;
	s15 =	smul.u32 $0x1400, s4;
	(erf) = vpow2.f32 v14;
	v14 =	vmul.f32 $1.000000000e+01, v17;
	v9 =	vld [tilespmem:s12+$0x3800]  }
0x169: {  	s25 =	sshrl.u32 s23, $0x3;
	s26 =	sand.u32 $0x380, s9;
	s14 =	smul.u32 $0xCCCD, s24;
	(erf) = vpow2.f32 v26;
	v12 =	vsub.f32 v12, v16;
	v16 =	vld [tilespmem:s3+$0x1CAE]  }
0x16a: {  	s31 =	sand.u32 $0xFFFFFC00, s1;
	s29 =	smul.u32 $0x1400, s25;
	s19 =	simm.s32 $0x8;
	v17 =	vsub.f32 v1, v21;
	v14 =	vsub.f32 v14, v21;
	v21 =	vld [tilespmem:s10+$0x3802]  }
0x16b: {  	s16 =	sadd.s32 $0x180, s1;
	s6 =	smulhi.u32 $0xCCCCCCCD, s19;
	v29 =	vld [tilespmem:s2+$0x3801];
	v12 =	vmul.f32 $1.442695020e+00, v12  }
0x16c: {  	s20 =	sshrl.u32 s14, $0x15;
	s22 =	sshrl.u32 s14, $0xE;
	v31 =	vld [tilespmem:s2+$0x3802];
	v19 =	vmax.f32 v23, v19;
	v23 =	vmul.f32 $1.000000000e+01, v7;
	v17 =	vmul.f32 $1.442695020e+00, v17  }
0x16d: {  	s24 =	sadd.s32 s29, s31;
	s31 =	ssub.s32 $0x200, s15;
	v18 =	vmax.f32 v18, v25;
	s6 =	sshrl.u32 s6, $0x5;
	v26 =	vld [tilespmem:s12+$0x3802];
	v11 =	vmul.f32 $1.442695020e+00, v14;
	(erf) = vpow2.f32 v12  }
0x16e: {  	s23 =	sshll.u32 s6, $0x8;
	s10 =	sadd.s32 $0x80, s1;
	s1 =	sadd.s32 $0x100, s1;
	v12 =	vld [tilespmem:s18+$0x3801];
	(erf) = vpow2.f32 v17;
	v17 =	vmul.f32 $1.442695020e+00, v24;
	v13 =	vmax.f32 v16, v13  }
0x16f: {  	s2 =	sadd.s32 $0x100, s31;
	s25 =	sand.u32 $0x3FFFFF00, s23;
	s1 =	sand.u32 $0xFFFFFC00, s1;
	v16 =	vld [tilespmem:s12+$0x3801];
	v21 =	vmax.f32 v27, v21;
	(erf) = vpow2.f32 v11;
	v11 =	vmul.f32 $1.000000000e+01, v6  }
0x170: {  	s2 =	sand.u32 $0xFFFFFC00, s2;
	s9 =	sadd.s32 $0x3880, s25;
	s1 =	sadd.s32 s29, s1;
	v14 =	vpop (erf);
	v13 =	vmax.f32 v13, v21;
	(erf) = vpow2.f32 v17;
	v17 =	vmax.f32 v20, v22  }
0x171: {  	s25 =	sadd.s32 $0x180, s31;
	s0 =	sor.u32 s26, s1;
	s18 =	sand.u32 $0xFFFFFC00, s10;
	v24 =	vmul.f32 $1.000000000e+01, v8;
	v22 =	vpop (erf);
	v13 =	vmax.f32 v7, v13;
	v17 =	vmax.f32 v28, v17  }
0x172: {  	v25 =	vld [tilespmem:s3+$0x1C7E];
	s1 =	sadd.s32 $0x80, s23;
	s10 =	sand.u32 $0xFFFFFC00, s16;
	s4 =	sadd.s32 s29, s18;
	v28 =	vpop (erf);
	v27 =	vsub.f32 v1, v11;
	v13 =	vmul.f32 $1.000000000e+01, v13;
	v17 =	vmax.f32 v3, v17  }
0x173: {  	s21 =	sadd.s32 s29, s10;
	s10 =	sor.u32 s26, s4;
	v20 =	vld [tilespmem:s3+$0x1C7F];
	[dreg:$0xb] =	wrdreg s0;
	v12 =	vmax.f32 v12, v15;
	v15 =	vadd.f32 $1.000000000e+00, v28;
	v28 =	vmul.f32 $1.000000000e+01, v9  }
0x174: {  	s11 =	sor.u32 s26, s21;
	s3 =	sor.u32 s26, s24;
	s26 =	smul.u32 $0xFFFFFD80, s6;
	v30 =	vld [tilespmem:s9+$0x1C7F];
	v16 =	vmax.f32 v16, v26;
	v26 =	vsub.f32 v1, v24;
	v17 =	vmul.f32 $1.000000000e+01, v17  }
0x175: {  	s16 =	sadd.s32 $0x8, s20;
	s23 =	sadd.s32 $0x1CB0, s1;
	s19 =	sadd.s32 $0x1C90, s1;
	v32 =	vld [tilespmem:s9+$0x1C7E];
	v13 =	vsub.f32 v13, v23;
	v16 =	vmax.f32 v19, v16;
	v19 =	vsub.f32 v1, v28  }
0x176: {  	v33 =	vsub.f32 v1, v23;
	s12 =	sand.u32 $0x380, s22;
	s29 =	sshrl.u32 s16, $0x3;
	v36 =	vld [tilespmem:s9+$0x1CAF];
	s0 =	sadd.s32 $0x80, s26;
	v27 =	vmul.f32 $1.442695020e+00, v27;
	v21 =	vmul.f32 $1.442695020e+00, v26  }
0x177: {  	s18 =	sadd.s32 $0x80, s31;
	s4 =	simm.s32 $0x8;
	s22 =	sadd.s32 $0x30, s0;
	v26 =	vld [tilespmem:s9+$0x1C9E];
	v10 =	vsub.f32 v17, v10;
	v13 =	vmul.f32 $1.442695020e+00, v13;
	v19 =	vmul.f32 $1.442695020e+00, v19;
	v34 =	vpop (erf)  }
0x178: {  	s13 =	smul.u32 $0x1400, s29;
	s21 =	sand.u32 $0xFFFFFC00, s31;
	v12 =	vmax.f32 v18, v12;
	s20 =	sand.u32 $0x70, s22;
	v17 =	vld [tilespmem:s9+$0x1C8F];
	(erf) = vpow2.f32 v27;
	v27 =	vmul.f32 $1.442695020e+00, v33;
	v38 =	vpop (erf)  }
0x179: {  	s18 =	sand.u32 $0xFFFFFC00, s18;
	s29 =	sand.u32 $0xFFFFFC00, s25;
	v16 =	vmax.f32 v9, v16;
	(erf) = vpow2.f32 v21;
	v21 =	vld [tilespmem:s9+$0x1C8E];
	[dreg:$0xa] =	wrdreg s20;
	v10 =	vmul.f32 $1.442695020e+00, v10;
	v37 =	vpop (erf)  }
0x17a: {  	s24 =	sand.u32 $0xFFFFFF80, s23;
	s6 =	smul.u32 $0x1400, s6;
	s8 =	sor.u32 s8, s10;
	v23 =	vmax.f32 v8, v12;
	v16 =	vmul.f32 $1.000000000e+01, v16;
	v61 =	vld [tilespmem:s9+$0x1C9F];
	(erf) = vpow2.f32 v27;
	v18 =	vpop (erf)  }
0x17b: {  	s31 =	sadd.s32 s13, s18;
	s14 =	sadd.s32 s13, s21;
	s15 =	sor.u32 s20, s24;
	v39 =	vld [tilespmem:s9+$0x1CAE];
	(erf) = vpow2.f32 v10;
	v10 =	vadd.f32 $1.000000000e+00, v22;
	v18 =	vadd.f32 $1.000000000e+00, v18  }
0x17c: {  	s26 =	sadd.s32 $0x1C80, s1;
	s1 =	sadd.s32 $0x1CA0, s1;
	s25 =	sor.u32 s12, s31;
	v27 =	vadd.f32 $1.000000000e+00, v34;
	v12 =	vld [tilespmem:s15+$0x3800];
	v22 =	vmul.f32 $1.000000000e+01, v23;
	(erf) = vpow2.f32 v13  }
0x17d: {  	s21 =	sadd.s32 $0x10, s0;
	s23 =	sand.u32 $0xFFFFFF80, s26;
	s18 =	sand.u32 $0x40, s0;
	v62 =	vld [tilespmem:s15+$0x3801];
	v13 =	vsub.f32 v16, v28;
	(erf) = vpow2.f32 v19;
	v18 =	vmul.f32 v18, v10  }
0x17e: {  	s21 =	sand.u32 $0x50, s21;
	s24 =	sand.u32 $0xFFFFFF80, s19;
	v40 =	vld [tilespmem:s15+$0x3802];
	s9 =	sor.u32 s18, s23;
	v15 =	vmul.f32 v27, v15;
	v16 =	vsub.f32 v22, v24  }
0x17f: {  	s22 =	sadd.s32 s13, s29;
	s15 =	sor.u32 s21, s24;
	v28 =	vmax.f32 v32, v30;
	v19 =	vmul.f32 $1.442695020e+00, v13;
	v10 =	vld [tilespmem:s9+$0x3800];
	[dreg:$0xc] =	wrdreg s25  }
0x180: {  	s0 =	sadd.s32 $0x20, s0;
	s1 =	sand.u32 $0xFFFFFF80, s1;
	s26 =	sor.u32 s12, s22;
	(erf) = vrcp.f32 v15;
	v15 =	vmax.f32 v25, v20;
	v24 =	vmax.f32 v21, v17;
	v13 =	vld [tilespmem:s15+$0x3800]  }
0x181: {  	s29 =	smul.u32 $0xCCCD, s4;
	s19 =	sand.u32 $0x60, s0;
	v17 =	vmax.f32 v29, v31;
	v29 =	vadd.f32 $1.000000000e+00, v14;
	v27 =	vld [tilespmem:s15+$0x3802];
	[dreg:$0xd] =	wrdreg s26;
	(erf) = vrcp.f32 v18;
	v18 =	vpop (erf)  }
0x182: {  	s10 =	simm.s32 $0x38C0;
	s2 =	sadd.s32 s13, s2;
	s1 =	sor.u32 s19, s1;
	v21 =	vadd.f32 $1.000000000e+00, v38;
	v20 =	vmul.f32 $1.442695020e+00, v16;
	v26 =	vmax.f32 v26, v61;
	v35 =	vld [tilespmem:s15+$0x3801];
	v16 =	vpop (erf)  }
0x183: {  	s5 =	sor.u32 s5, s3;
	s31 =	sshrl.u32 s29, $0x15;
	s0 =	sshrl.u32 s29, $0xE;
	v22 =	vmul.f32 $1.000000000e+01, v12;
	v15 =	vmax.f32 v15, v17;
	v32 =	vld [tilespmem:s1+$0x3802];
	(erf) = vpow2.f32 v19;
	v23 =	vpop (erf)  }
0x184: {  	s24 =	sor.u32 s12, s14;
	s23 =	sor.u32 s12, s2;
	s2 =	sadd.s32 $0x8, s31;
	v30 =	vmax.f32 v39, v36;
	v33 =	vld [tilespmem:s9+$0x3801];
	(erf) = vpow2.f32 v20;
	v20 =	vmul.f32 $1.000000000e+01, v10;
	v63 =	vpop (erf)  }
0x185: {  	s14 =	sor.u32 s7, s11;
	s7 =	simm.s32 $0xC;
	s11 =	simm.s32 $0xC0;
	v34 =	vmax.f32 v62, v40;
	v14 =	vld [tilespmem:s1+$0x3800];
	v36 =	vmax.f32 v6, v15;
	v19 =	vadd.f32 $1.000000000e+00, v37;
	v31 =	vpop (erf)  }
0x186: {  	s16 =	sshrl.u32 s2, $0x3;
	s25 =	simm.s32 $0x200;
	s26 =	sand.u32 $0x380, s0;
	v37 =	vld [tilespmem:s1+$0x3801];
	v17 =	vmul.f32 $1.000000000e+01, v13;
	v25 =	vsub.f32 v1, v20;
	v38 =	vadd.f32 $1.000000000e+00, v63;
	v15 =	vpop (erf)  }
.LBB2_8:
0x187: {  	s1 =	smov.u32 s28  }
0x188: {  	s0 =	smulhi.u32 $0xCCCCCCCD, s7;
	s12 =	smov.u32 s21;
	[dreg:$0xe] =	wrdreg s1  }
0x189: {  	s4 =	sadd.s32 $0x4, s4;
	s13 =	smov.u32 s18;
	[dreg:$0xf] =	wrdreg s12  }
0x18a: {  	s25 =	sadd.s32 $0x200, s25;
	s16 =	smul.u32 $0x1400, s16;
	[dreg:$0x10] =	wrdreg s13  }
0x18b: {  	s28 =	smul.u32 $0xCCCD, s4;
	s3 =	ssub.s32 s25, s6;
	s12 =	smov.u32 s30  }
0x18c: {  	s13 =	smov.u32 s17;
	s6 =	sshrl.u32 s0, $0x5;
	s22 =	sand.u32 $0xFFFFFC00, s3  }
0x18d: {  	s31 =	sadd.s32 $0x80, s3;
	s0 =	smul.u32 $0xFFFFFD80, s6;
	s15 =	sshll.u32 s6, $0x8  }
0x18e: {  	v39 =	vmul.f32 v19, v21;
	v19 =	vmov v28;
	v28 =	vmul.f32 v38, v29;
	s22 =	sadd.s32 s16, s22;
	v29 =	vpop (erf);
	s29 =	sadd.s32 s15, s11;
	s1 =	sand.u32 $0x3FFFFF00, s15  }
0x18f: {  	v21 =	vmov v18;
	v18 =	vmul.f32 $1.442695020e+00, v25;
	v48 =	vsub.f32 v1, v17;
	s15 =	sadd.s32 $0x180, s3;
	s3 =	sadd.s32 $0x100, s3;
	s22 =	sor.u32 s26, s22;
	v47 =	vpop (erf)  }
0x190: {  	v37 =	vmax.f32 v37, v32;
	v27 =	vmax.f32 v35, v27;
	s0 =	sadd.s32 s0, s11;
	s30 =	sadd.s32 s1, s10;
	s18 =	sadd.s32 $0x1C90, s29;
	v25 =	vpop (erf);
	(erf) = vrcp.f32 v28  }
0x191: {  	v26 =	vmax.f32 v26, v37;
	v29 =	vmul.f32 v29, v4;
	s17 =	sadd.s32 $0x1CA0, s29;
	s15 =	sand.u32 $0xFFFFFC00, s15;
	s2 =	sadd.s32 $0x10, s0;
	v49 =	vpop (erf);
	(erf) = vrcp.f32 v39  }
0x192: {  	v24 =	vmax.f32 v24, v27;
	s1 =	sand.u32 $0xFFFFFF80, s18;
	s20 =	sadd.s32 $0x30, s0;
	s18 =	sand.u32 $0x40, s0;
	(erf) = vpow2.f32 v18;
	v18 =	vmax.f32 v14, v26  }
0x193: {  	v27 =	vmul.f32 $1.000000000e+01, v14;
	s0 =	sadd.s32 $0x20, s0;
	s15 =	sadd.s32 s16, s15;
	[tilespmem:s14+$0x7000] =	vst v29;
	vm0 =	vge.f32 v29, v0;
	v29 =	vld [tilespmem:s9+$0x3802];
	s9 =	sadd.s32 $0x1C80, s29;
	v18 =	vmul.f32 $1.000000000e+01, v18  }
0x194: {  	v46 =	vadd.f32 $1.000000000e+00, v23;
	v23 =	vmov v33;
	v33 =	vmul.f32 $1.442695020e+00, v48;
	s21 =	sand.u32 $0x50, s2;
	s2 =	sand.u32 $0x70, s20;
	s20 =	sand.u32 $0xFFFFFF80, s17  }
0x195: {  	v28 =	vsub.f32 v1, v27;
	s29 =	sadd.s32 $0x1CB0, s29;
	s0 =	sand.u32 $0x60, s0;
	s15 =	sor.u32 s26, s15;
	v40 =	vsub.f32 v18, v27;
	v27 =	vmul.f32 v47, v5  }
0x196: {  	v51 =	vld [tilespmem:s30+$0x1C7F];
	v50 =	vnsel vm0, $0x0, v4;
	v4 =	vmovc v7;
	v7 =	vmovc v12;
	v12 =	vmax.f32 v30, v34;
	v26 =	vmul.f32 $1.000000000e+01, v36;
	s9 =	sand.u32 $0xFFFFFF80, s9;
	s17 =	sand.u32 $0xFFFFFF80, s29;
	s29 =	sor.u32 s0, s20  }
0x197: {  	v55 =	vld [tilespmem:s30+$0x1C8E];
	s20 =	sshrl.u32 s28, $0x15;
	[tilespmem:s14+$0x9800] =	vst v50;
	v12 =	vmax.f32 v7, v12;
	s14 =	sor.u32 s21, s1;
	s9 =	sor.u32 s18, s9;
	vm13 =	vge.f32 v27, v0  }
0x198: {  	(erf) = vpow2.f32 v33;
	s1 =	sor.u32 s2, s17;
	s17 =	sand.u32 $0xFFFFFC00, s31;
	s31 =	sadd.s32 $0x8, s20;
	v26 =	vsub.f32 v26, v11;
	v11 =	vmovc v20;
	v20 =	vld [tilespmem:s30+$0x1C8F];
	[tilespmem:s8+$0x7000] =	vst v27;
	v59 =	vnsel vm13, $0x0, v5  }
0x199: {  	s20 =	smov.u32 s19;
	v12 =	vmul.f32 $1.000000000e+01, v12;
	s17 =	sadd.s32 s16, s17;
	v27 =	vld [tilespmem:s14+$0x3802];
	[tilespmem:s8+$0x9800] =	vst v59;
	s8 =	rddreg [dreg:$0x5]  }
0x19a: {  	v58 =	vadd.f32 $1.000000000e+00, v16;
	v54 =	vsub.f32 v1, v22;
	v52 =	vld [tilespmem:s30+$0x1C9E];
	s19 =	sand.u32 $0xFFFFFC00, s3;
	s17 =	sor.u32 s26, s17;
	v18 =	vpop (erf);
	s3 =	smov.u32 s8  }
0x19b: {  	v24 =	vmax.f32 v13, v24;
	v30 =	vld [tilespmem:s30+$0x1C7E];
	v22 =	vsub.f32 v12, v22;
	v16 =	vmul.f32 v18, v3;
	s8 =	sadd.s32 s16, s19;
	s19 =	rddreg [dreg:$0xb];
	s16 =	smov.u32 s2  }
0x19c: {  	v42 =	vmul.f32 $1.000000000e+01, v24;
	v33 =	vmul.f32 $1.442695020e+00, v54;
	v43 =	vld [tilespmem:s9+$0x3800];
	s2 =	rddreg [dreg:$0xc];
	s8 =	sor.u32 s26, s8;
	s26 =	smov.u32 s20  }
0x19d: {  	v60 =	vld [tilespmem:s1+$0x3801];
	v26 =	vmul.f32 $1.442695020e+00, v26;
	v22 =	vmul.f32 $1.442695020e+00, v22;
	s20 =	smov.u32 s24;
	s24 =	smov.u32 s22;
	s22 =	smov.u32 s23;
	vm14 =	vge.f32 v16, v0  }
0x19e: {  	v61 =	vld [tilespmem:s1+$0x3802];
	v24 =	vmax.f32 v55, v20;
	v41 =	vpop (erf);
	(erf) = vpow2.f32 v33;
	[tilespmem:s5+$0x7000] =	vst v16;
	[dreg:$0xb] =	wrdreg s22;
	v20 =	vnsel vm14, $0x0, v3  }
0x19f: {  	v56 =	vld [tilespmem:s30+$0x1C9F];
	v28 =	vmul.f32 $1.442695020e+00, v28;
	v18 =	vpop (erf);
	(erf) = vpow2.f32 v26;
	[tilespmem:s5+$0x9800] =	vst v20;
	s5 =	sor.u32 s12, s19;
	s12 =	rddreg [dreg:$0xa]  }
0x1a0: {  	v31 =	vadd.f32 $1.000000000e+00, v31;
	v5 =	vmov v8;
	(erf) = vpow2.f32 v22;
	[dreg:$0xa] =	wrdreg s16  }
0x1a1: {  	s7 =	sadd.s32 $0x4, s7;
	v53 =	vld [tilespmem:s30+$0x1CAF];
	v8 =	vmov v13;
	v13 =	vmul.f32 v41, v2;
	v16 =	vpop (erf);
	(erf) = vpow2.f32 v28;
	s19 =	smov.u32 s12;
	s12 =	rddreg [dreg:$0xd]  }
0x1a2: {  	p5 =	slt.u32 s4, $0x13C;
	v31 =	vmul.f32 v31, v46;
	s6 =	smul.u32 $0x1400, s6;
	v37 =	vadd.f32 $1.000000000e+00, v49;
	v12 =	vld [tilespmem:s1+$0x3800];
	v57 =	vmul.f32 $1.442695020e+00, v40;
	[dreg:$0x5] =	wrdreg s19  }
0x1a3: {  	s10 =	sadd.s32 $0x40, s10;
	s11 =	sadd.s32 $0x40, s11;
	v34 =	vmax.f32 v60, v61;
	v22 =	vld [tilespmem:s30+$0x1CAE];
	vm15 =	vge.f32 v13, v0;
	v20 =	vsub.f32 v42, v17;
	s19 =	rddreg [dreg:$0x6]  }
0x1a4: {  	s28 =	sshrl.u32 s28, $0xE;
	v32 =	vld [tilespmem:s29+$0x3802];
	v26 =	vmax.f32 v52, v56;
	s23 =	smov.u32 s8;
	v3 =	vmovc v6;
	v17 =	vmul.f32 v37, v58;
	[tilespmem:s5+$0x7000] =	vst v13;
	v13 =	vnsel vm15, $0x0, v2;
	[dreg:$0x6] =	wrdreg s26  }
0x1a5: {  	v28 =	vmax.f32 v30, v51;
	v2 =	vmovc v9;
	(erf) = vrcp.f32 v31;
	v9 =	vmovc v14;
	[tilespmem:s5+$0x9800] =	vst v13;
	v13 =	vld [tilespmem:s14+$0x3800];
	v14 =	vmul.f32 $1.442695020e+00, v20;
	s5 =	smov.u32 s17;
	s16 =	smov.u32 s12;
	s26 =	rddreg [dreg:$0x10]  }
.Ltmp3:
0x1a6: {  	v6 =	vmovc v10;
	v10 =	vmovc v43;
	(erf) = vrcp.f32 v17;
	s17 =	smov.u32 s15;
	v17 =	vmax.f32 v23, v29;
	v29 =	vadd.f32 $1.000000000e+00, v21;
	[dreg:$0xc] =	wrdreg s5;
	(pc) =	sbr.rel @p5 .LBB2_8-.Ltmp3, $4  }
0x1a7: {  	v35 =	vld [tilespmem:s14+$0x3801];
	v20 =	vmul.f32 $1.000000000e+01, v10;
	v21 =	vadd.f32 $1.000000000e+00, v15;
	s30 =	smov.u32 s19;
	s19 =	smov.u32 s0;
	[dreg:$0xd] =	wrdreg s17;
	(erf) = vpow2.f32 v57;
	v23 =	vpop (erf)  }
0x1a8: {  	v30 =	vmax.f32 v22, v53;
	v37 =	vld [tilespmem:s29+$0x3801];
	v22 =	vmul.f32 $1.000000000e+01, v12;
	v62 =	vmax.f32 v19, v17;
	s17 =	smov.u32 s26;
	s26 =	sand.u32 $0x380, s28;
	s28 =	rddreg [dreg:$0xf];
	v63 =	vpop (erf)  }
0x1a9: {  	s0 =	smov.u32 s2;
	s5 =	sor.u32 s13, s20;
	v19 =	vadd.f32 $1.000000000e+00, v25;
	(erf) = vpow2.f32 v14;
	v14 =	vld [tilespmem:s29+$0x3800];
	s29 =	rddreg [dreg:$0xe];
	v25 =	vsub.f32 v1, v20;
	v31 =	vpop (erf)  }
0x1aa: {  	v33 =	vld [tilespmem:s9+$0x3801];
	s14 =	sor.u32 s3, s16;
	s16 =	sshrl.u32 s31, $0x3;
	v36 =	vmax.f32 v6, v62;
	s8 =	sor.u32 s29, s0;
	v17 =	vmul.f32 $1.000000000e+01, v13;
	v38 =	vadd.f32 $1.000000000e+00, v63;
	v15 =	vpop (erf)  }
0x1ab: {  	v19 =	vmul.f32 v19, v21;
	v60 =	vmul.f32 $1.000000000e+01, v36  }
0x1ac: {  	v61 =	vsub.f32 v1, v22;
	v63 =	vadd.f32 $1.000000000e+00, v23;
	v29 =	vmul.f32 v38, v29  }
0x1ad: {  	v25 =	vmul.f32 $1.442695020e+00, v25;
	v46 =	vadd.f32 $1.000000000e+00, v31;
	v59 =	vsub.f32 v1, v17  }
0x1ae: {  	v16 =	vadd.f32 $1.000000000e+00, v16;
	v18 =	vadd.f32 $1.000000000e+00, v18;
	(erf) = vrcp.f32 v29  }
0x1af: {  	v11 =	vsub.f32 v60, v11;
	v62 =	vmul.f32 $1.442695020e+00, v59;
	(erf) = vrcp.f32 v19  }
0x1b0: {  	v27 =	vmax.f32 v35, v27;
	v35 =	vmul.f32 $1.442695020e+00, v61;
	(erf) = vpow2.f32 v25  }
0x1b1: {  	v43 =	vld [tilespmem:s9+$0x3802];
	v15 =	vadd.f32 $1.000000000e+00, v15;
	v11 =	vmul.f32 $1.442695020e+00, v11;
	(erf) = vpow2.f32 v62  }
0x1b2: {  	v38 =	vmax.f32 v30, v34;
	v36 =	vmax.f32 v37, v32;
	(erf) = vpow2.f32 v35  }
0x1b3: {  	v40 =	vmax.f32 v12, v38;
	v37 =	vmul.f32 $1.000000000e+01, v14;
	v39 =	vpop (erf);
	(erf) = vpow2.f32 v11  }
0x1b4: {  	v41 =	vmax.f32 v24, v27;
	v21 =	vmul.f32 v46, v63;
	v42 =	vpop (erf);
	v25 =	vmax.f32 v26, v36  }
0x1b5: {  	v26 =	vmul.f32 $1.000000000e+01, v40;
	v44 =	vpop (erf);
	v45 =	vsub.f32 v1, v37;
	v25 =	vmax.f32 v14, v25  }
0x1b6: {  	v61 =	vmul.f32 v39, v4;
	v54 =	vmax.f32 v33, v43;
	v25 =	vmul.f32 $1.000000000e+01, v25;
	v47 =	vpop (erf)  }
0x1b7: {  	v29 =	vmul.f32 v42, v5;
	v48 =	vsub.f32 v26, v22;
	v1 =	vmul.f32 $1.442695020e+00, v45;
	v49 =	vpop (erf)  }
0x1b8: {  	v11 =	vmax.f32 v13, v41;
	v51 =	vadd.f32 $1.000000000e+00, v47;
	v19 =	vsub.f32 v25, v37;
	v50 =	vpop (erf)  }
0x1b9: {  	v58 =	vadd.f32 $1.000000000e+00, v44;
	v22 =	vmul.f32 $1.442695020e+00, v48;
	v11 =	vmul.f32 $1.000000000e+01, v11;
	v52 =	vpop (erf)  }
0x1ba: {  	vm0 =	vge.f32 v61, v0;
	v55 =	vmul.f32 v51, v16;
	v19 =	vmul.f32 $1.442695020e+00, v19;
	v53 =	vpop (erf)  }
0x1bb: {  	(erf) = vpow2.f32 v22;
	v11 =	vsub.f32 v11, v17;
	v17 =	vmax.f32 v28, v54;
	v56 =	vpop (erf)  }
0x1bc: {  	(erf) = vpow2.f32 v1;
	v17 =	vmax.f32 v10, v17;
	v1 =	vmul.f32 v58, v15;
	v57 =	vpop (erf)  }
0x1bd: {  	(erf) = vrcp.f32 v21;
	v17 =	vmul.f32 $1.000000000e+01, v17;
	v21 =	vadd.f32 $1.000000000e+00, v57  }
0x1be: {  	vm5 =	vge.f32 v29, v0;
	v11 =	vmul.f32 $1.442695020e+00, v11;
	(erf) = vrcp.f32 v55  }
0x1bf: {  	[tilespmem:s14+$0x7000] =	vst v61;
	v17 =	vsub.f32 v17, v20;
	(erf) = vpow2.f32 v19;
	v18 =	vmul.f32 v21, v18  }
0x1c0: {  	[tilespmem:s8+$0x7000] =	vst v29;
	v36 =	vnsel vm5, $0x0, v5;
	v32 =	vmul.f32 v49, v3;
	(erf) = vpow2.f32 v11  }
0x1c1: {  	[tilespmem:s8+$0x9800] =	vst v36;
	v28 =	vnsel vm0, $0x0, v4;
	v59 =	vmul.f32 $1.442695020e+00, v17;
	(erf) = vrcp.f32 v18  }
0x1c2: {  	[tilespmem:s14+$0x9800] =	vst v28;
	vm6 =	vge.f32 v32, v0;
	(erf) = vrcp.f32 v1  }
0x1c3: {  	[tilespmem:s5+$0x7000] =	vst v32;
	v39 =	vnsel vm6, $0x0, v3;
	(erf) = vpow2.f32 v59  }
0x1c4: {  	v38 =	vmul.f32 v50, v2;
	[tilespmem:s5+$0x9800] =	vst v39;
	v60 =	vpop (erf)  }
0x1c5: {  	s0 =	rddreg [dreg:$0xb];
	v62 =	vpop (erf)  }
0x1c6: {  	vm7 =	vge.f32 v38, v0;
	s0 =	sor.u32 s30, s0;
	v63 =	vpop (erf)  }
0x1c7: {  	v16 =	vadd.f32 $1.000000000e+00, v56;
	v45 =	vnsel vm7, $0x0, v2;
	[tilespmem:s0+$0x7000] =	vst v38;
	v1 =	vadd.f32 $1.000000000e+00, v60;
	v27 =	vpop (erf)  }
0x1c8: {  	[tilespmem:s0+$0x9800] =	vst v45;
	v30 =	vpop (erf)  }
0x1c9: {  	s0 =	rddreg [dreg:$0x5];
	v1 =	vmul.f32 v1, v16;
	v33 =	vpop (erf)  }
0x1ca: {  	v22 =	vadd.f32 $1.000000000e+00, v53;
	s1 =	rddreg [dreg:$0xd];
	v17 =	vmul.f32 v63, v7;
	v34 =	vadd.f32 $1.000000000e+00, v33;
	v35 =	vpop (erf)  }
0x1cb: {  	v41 =	vadd.f32 $1.000000000e+00, v52;
	v44 =	vadd.f32 $1.000000000e+00, v62;
	s0 =	sor.u32 s0, s1;
	(erf) = vrcp.f32 v1;
	v37 =	vpop (erf)  }
0x1cc: {  	vm8 =	vge.f32 v17, v0;
	[tilespmem:s0+$0x7000] =	vst v17;
	v46 =	vmul.f32 v27, v8;
	v11 =	vmul.f32 v34, v22;
	v40 =	vpop (erf)  }
0x1cd: {  	v48 =	vnsel vm8, $0x0, v7;
	s14 =	rddreg [dreg:$0xc];
	v43 =	vadd.f32 $1.000000000e+00, v30;
	v42 =	vadd.f32 $1.000000000e+00, v40  }
0x1ce: {  	s1 =	sor.u32 s28, s14;
	[tilespmem:s0+$0x9800] =	vst v48;
	vm9 =	vge.f32 v46, v0;
	v49 =	vmul.f32 v35, v6;
	(erf) = vrcp.f32 v11  }
0x1cf: {  	[tilespmem:s1+$0x7000] =	vst v46;
	v50 =	vnsel vm9, $0x0, v8;
	v1 =	vmul.f32 v42, v41  }
0x1d0: {  	s2 =	sor.u32 s17, s24;
	v47 =	vmul.f32 v43, v44;
	[tilespmem:s1+$0x9800] =	vst v50;
	vm10 =	vge.f32 v49, v0  }
0x1d1: {  	[tilespmem:s2+$0x7000] =	vst v49;
	v52 =	vnsel vm10, $0x0, v6;
	(erf) = vrcp.f32 v1  }
0x1d2: {  	s15 =	sadd.s32 $0x200, s25;
	v51 =	vmul.f32 v37, v9;
	[tilespmem:s2+$0x9800] =	vst v52;
	(erf) = vrcp.f32 v47  }
0x1d3: {  	s0 =	ssub.s32 s15, s6;
	s2 =	rddreg [dreg:$0x6]  }
0x1d4: {  	s3 =	smul.u32 $0x1400, s16;
	s20 =	sadd.s32 $0x180, s0;
	vm11 =	vge.f32 v51, v0;
	s2 =	sor.u32 s2, s23  }
0x1d5: {  	s1 =	sand.u32 $0xFFFFFC00, s20;
	v53 =	vpop (erf);
	v55 =	vnsel vm11, $0x0, v9;
	[tilespmem:s2+$0x7000] =	vst v51  }
0x1d6: {  	s4 =	sadd.s32 $0x80, s0;
	s1 =	sadd.s32 s3, s1;
	v54 =	vmul.f32 v53, v12;
	[tilespmem:s2+$0x9800] =	vst v55  }
0x1d7: {  	s4 =	sand.u32 $0xFFFFFC00, s4;
	s1 =	sor.u32 s26, s1;
	s23 =	rddreg [dreg:$0xa];
	v56 =	vpop (erf)  }
0x1d8: {  	s22 =	sadd.s32 s3, s4;
	vm12 =	vge.f32 v54, v0;
	s1 =	sor.u32 s23, s1;
	v57 =	vmul.f32 v56, v13  }
0x1d9: {  	s24 =	sand.u32 $0xFFFFFC00, s0;
	s0 =	sadd.s32 $0x100, s0;
	s2 =	sor.u32 s26, s22;
	v58 =	vnsel vm12, $0x0, v12;
	[tilespmem:s1+$0x7000] =	vst v54  }
0x1da: {  	s25 =	sadd.s32 s3, s24;
	s0 =	sand.u32 $0xFFFFFC00, s0;
	s2 =	sor.u32 s21, s2;
	[tilespmem:s1+$0x9800] =	vst v58;
	vm13 =	vge.f32 v57, v0;
	v59 =	vpop (erf)  }
0x1db: {  	s0 =	sadd.s32 s3, s0;
	s1 =	sor.u32 s26, s25;
	[tilespmem:s2+$0x7000] =	vst v57;
	v62 =	vnsel vm13, $0x0, v13;
	v60 =	vmul.f32 v59, v10;
	v61 =	vpop (erf)  }
0x1dc: {  	s0 =	sor.u32 s26, s0;
	s1 =	sor.u32 s18, s1;
	[tilespmem:s2+$0x9800] =	vst v62;
	v2 =	vmul.f32 v61, v14  }
0x1dd: {  	s0 =	sor.u32 s19, s0;
	vm14 =	vge.f32 v60, v0;
	[tilespmem:s1+$0x7000] =	vst v60  }
0x1de: {  	v63 =	vnsel vm14, $0x0, v10;
	vm15 =	vge.f32 v2, v0;
	[tilespmem:s0+$0x7000] =	vst v2  }
0x1df: {  	[tilespmem:s1+$0x9800] =	vst v63;
	v0 =	vnsel vm15, $0x0, v14  }
0x1e0: {  	[tilespmem:s0+$0x9800] =	vst v0  }
0x1e1: {  	s0 =	sld [smem:$0x7FB];
	_ =	sdelay $0x1  }
0x1e2: {  	s9 =	simm.s32 $0x0;
	s26 =	simm.s32 $0x8400;
	s28 =	sld [smem:$0x7FC]  }
0x1e3: {  	[hbm4b:s0+s9] =	stream.linear.scatter [tilespmem:s26], [sflag:$0x1], $0x1400, $0x38;
	[tilespmem:$0xC080] =	vst v63  }
0x1e4: {  	s29 =	simm.s32 $0xAC00;
	s6 =	simm.s32 $0x1  }
0x1e5: {  	[hbm4b:s28+s9] =	stream.linear.scatter [tilespmem:s29], [sflag:$0x1], $0x1400, $0x38;
	[tilespmem:$0xC080] =	vst v63  }
0x1e6: {  	_ =	swait.ge [sflag:s6], $0x1400  }
0x1e7: {  	[sflag:s6] =	ssyncset.done $0x0  }
0x1e8: {  	[sflag:s6] =	ssyncadd.s32 $0xFFFFEC00  }
0x1e9: {  	_ =	swait.ge [sflag:s6], $0x1400  }
0x1ea: {  	[sflag:s6] =	ssyncset.done $0x0  }
0x1eb: {  	[sflag:s6] =	ssyncadd.s32 $0xFFFFEC00  }
0x1ec: {  	_ =	swait.ge [sflag:s6], $0x1400  }
0x1ed: {  	[sflag:s6] =	ssyncset.done $0x0  }
0x1ee: {  	[sflag:s6] =	ssyncadd.s32 $0xFFFFEC00  }
0x1ef: {  	_ =	swait.ge [sflag:s6], $0x1400  }
0x1f0: {  	s30 =	sld [smem:$0x7F9]  }
0x1f1: {  	s31 =	sld [smem:$0x7FD];
	_ =	sdelay $0x1  }
0x1f2: {  	s1 =	sadd.s32 $0x1, s30  }
0x1f3: {  	p5 =	sne.s32 s1, s31  }
.Ltmp4:
0x1f4: {  	_ = 	snop;
	(pc) =	sbr.rel @p5 .LBB2_1-.Ltmp4, $3  }
0x1f5: {  	_ =	sdelay $0x1  }
0x1f6: {  	[sflag:s6] =	ssyncset.done $0x0  }
0x1f7: {  	[sflag:s6] =	ssyncadd.s32 $0xFFFFEC00  }
0x1f8: {  	_ =	sfence.sel $0x180000  }
0x1f9: {  	[bflag:$0x0] =	sbarrier.arrive $0xFFFF  }
0x1fa: {  	_ =	strace $0x90000047  }
0x1fb: {  	s0 =	stileid.u32;
	[bflag:$0x2] =	sbarrier.arrive $0xFFFF  }
0x1fc: {  	p0 =	sne.s32 s0, $0x0;
	s0 =	rddreg [dreg:$0x4]  }
0x1fd: {  	s0 =	sadd.s32 @!p0 $0x100000, s0  }
0x1fe: {  	[sflag:s0] =	ssyncadd.tile.s32 @!p0 $0x1;
	_ =	shalt  }
.Lfunc_end2:
_tile_overlayer_lowered:
.L_overlay_start_2:
0x1ff: {  	(tag) =	ssettag $0x2  }
0x200: {  	s0 =	rddreg [dreg:$0x0];
	s2 =	stileid.u32  }
0x201: {  	s1 =	rddreg [dreg:$0x1];
	p0 =	sne.s32 s2, $0x0  }
0x202: {  	s3 =	rddreg [dreg:$0x2];
	[bflag:$0x3] =	sbarrier.arrive $0xFFFF;
	s2 =	simm.s32 @!p0 $0x1C02  }
0x203: {  	[timem:s3], [sflag:s2] =	dma.local @!p0 [hbm:s0], s1  }
0x204: {  	s0 =	simm.s32 @!p0 $0x2  }
0x205: {  	_ =	swait.ge @!p0 [sflag:s0], s1  }
0x206: {  	s1 =	ssub.s32 @!p0 $0x0, s1;
	[sflag:s0] =	ssyncset.done @!p0 $0x0  }
0x207: {  	[sflag:s0] =	ssyncadd.s32 @!p0 s1  }
0x208: {  	[bflag:$0x3] =	sbarrier.arrive $0xFFFF  }
0x209: {  	_ =	shalt  }

</sc_bundles>
